<compile_context>
chip_gen: v7x
topology: tpu7x:2x2x1
jax: 0.10.2.dev20260603
libtpu: 0.0.44.dev20260713+nightly
codegen_flags: <defaults>
</compile_context>

<pallas_src>
import functools

import jax
import jax.numpy as jnp
from jax import lax
from jax.experimental import pallas as pl
from jax.experimental.pallas import tpu as pltpu
from jax.experimental.pallas import tpu_sc as plsc

NW = 32
CH = 128
K = 2


@functools.partial(jax.jit, static_argnames=("b", "d"))
def _gather_rows(table, idx_flat, b, d):
    b_per_w = b // NW
    n_steps = b_per_w // CH
    n_groups = n_steps // K
    assert n_steps == n_groups * K and n_groups % 2 == 0 and n_groups >= 4

    mesh = plsc.VectorSubcoreMesh(core_axis_name="c", subcore_axis_name="s")

    @functools.partial(
        pl.kernel,
        out_type=jax.ShapeDtypeStruct((b, d), jnp.float32),
        mesh=mesh,
        scratch_types=[
            pltpu.VMEM((b_per_w,), jnp.int32),
            pltpu.VMEM_SHARED((256, d), jnp.float32),
            pltpu.VMEM((2, K, CH, d), jnp.float32),
            pltpu.SemaphoreType.DMA,
            pltpu.SemaphoreType.DMA,
        ],
    )
    def k(table_hbm, idx_hbm, out_hbm, idx_v, table_s, rows_v, gsem, wsem):
        wid = lax.axis_index("s") * 2 + lax.axis_index("c")
        base = wid * b_per_w
        sid = lax.axis_index("s")

        @pl.when(sid == 0)
        def _():
            pltpu.sync_copy(table_hbm, table_s.at[pl.ds(0, 201)])

        plsc.subcore_barrier()
        pltpu.sync_copy(idx_hbm.at[pl.ds(base, b_per_w)], idx_v)

        def fire_gathers(g, half):
            for i in range(K):
                j = g * K + i
                pltpu.async_copy(
                    table_s.at[idx_v.at[pl.ds(j * CH, CH)]],
                    rows_v.at[half].at[i], gsem)

        def drain_gathers(g, half):
            for i in range(K):
                j = g * K + i
                pltpu.make_async_copy(
                    table_s.at[idx_v.at[pl.ds(j * CH, CH)]],
                    rows_v.at[half].at[i], gsem).wait()

        def fire_writes(g, half):
            for i in range(K):
                j = g * K + i
                pltpu.async_copy(
                    rows_v.at[half].at[i],
                    out_hbm.at[pl.ds(base + j * CH, CH)], wsem)

        def drain_writes(g, half):
            for i in range(K):
                j = g * K + i
                pltpu.make_async_copy(
                    rows_v.at[half].at[i],
                    out_hbm.at[pl.ds(base + j * CH, CH)], wsem).wait()

        fire_gathers(0, 0)
        drain_gathers(0, 0)
        fire_writes(0, 0)
        fire_gathers(1, 1)

        def body(it, carry):
            g1 = 2 * it + 1
            drain_gathers(g1, 1)
            drain_writes(g1 - 1, 0)
            fire_writes(g1, 1)
            fire_gathers(g1 + 1, 0)

            g2 = 2 * it + 2
            drain_gathers(g2, 0)
            drain_writes(g2 - 1, 1)
            fire_writes(g2, 0)
            fire_gathers(g2 + 1, 1)
            return carry

        lax.fori_loop(0, (n_groups - 2) // 2, body, 0)

        g_last = n_groups - 1
        drain_gathers(g_last, 1)
        drain_writes(g_last - 1, 0)
        fire_writes(g_last, 1)
        drain_writes(g_last, 1)

    return k(table, idx_flat)


def kernel(x, posembedding_weight):
    b4, s = x.shape
    v, d = posembedding_weight.shape
    b = b4 * s
    idx_flat = x.reshape(b).astype(jnp.int32)
    out = _gather_rows(posembedding_weight, idx_flat, b, d)
    return out.reshape(b4, s, d)

# --- scband reference (transcript-rebuilt; emitter-appended) ---
"""Pipeline reference for scband-positional-encoding-87222195848156 (READ-ONLY COPY).

The authoritative reference and input builder live on the scoring server;
editing this copy changes nothing except your own understanding.
"""

import jax, jax.numpy as jnp
import numpy as np

MAX_SEQ_LEN = 200
D_MODEL = 128


def _build_posencoding(max_seq_len, d_model):
    posencoding = np.array([[t / np.power(10000, 2.0 * (d // 2) / d_model) for d in range(d_model)] for t in range(1, 1 + max_seq_len)])
    posencoding[:, 0::2] = np.sin(posencoding[:, 0::2])
    posencoding[:, 1::2] = np.cos(posencoding[:, 1::2])
    posencoding = np.concatenate([np.zeros([1, d_model]), posencoding], axis=0)
    return jnp.asarray(posencoding, dtype=jnp.float32)


def setup_inputs(seed: int = 0) -> dict:
    key = jax.random.key(seed)
    k_x, = jax.random.split(key, 1)
    x = jax.random.randint(k_x, (4096, 200), 0, MAX_SEQ_LEN + 1, dtype=jnp.int64 if jax.config.jax_enable_x64 else jnp.int32)
    posembedding_weight = _build_posencoding(MAX_SEQ_LEN, D_MODEL)
    return {"x": x, "posembedding_weight": posembedding_weight}


def reference(x, posembedding_weight):
    # Embedding lookup: output_pos = posembedding(x)
    output_pos = jnp.take(posembedding_weight, x, axis=0)
    return output_pos

if __name__ == "__main__":
    import jax
    _d = setup_inputs()
    print(jax.jit(kernel)(*tuple(_d.values())))

</pallas_src>

<mosaic_0001>
#map = affine_map<(d0, d1) -> (0, 0)>
#map1 = affine_map<(d0, d1) -> (0)>
module attributes {stable_mosaic.version = 14 : i64} {
  func.func @k(%arg0: i32, %arg1: i32, %arg2: memref<201x128xf32, #tpu.memory_space<hbm>>, %arg3: memref<819200xi32, #tpu.memory_space<hbm>>, %arg4: memref<819200x128xf32, #tpu.memory_space<hbm>>, %arg5: memref<25600xi32, #tpu.memory_space<vmem>>, %arg6: memref<256x128xf32, #tpu.memory_space<vmem_shared>>, %arg7: memref<2x2x128x128xf32, #tpu.memory_space<vmem>>, %arg8: memref<!tpu.dma_semaphore, #tpu.memory_space<semaphore_mem>>, %arg9: memref<!tpu.dma_semaphore, #tpu.memory_space<semaphore_mem>>) attributes {dimension_semantics = [#tpu.dimension_semantics<core_parallel>, #tpu.dimension_semantics<subcore_parallel>], iteration_bounds = array<i64: 2, 16>, scalar_prefetch = 0 : i64, scratch_operands = 5 : i64, tpu.core_type = #tpu.core_type<sc_vector_subcore>, window_params = [{transform_indices = #map}, {transform_indices = #map1}, {transform_indices = #map}]} {
    %mul3A = arith.constant 2 : i32
    %mul3A_0 = arith.muli %arg1, %mul3A : i32
    %add3A = arith.addi %mul3A_0, %arg0 : i32
    %mul3A_1 = arith.constant 25600 : i32
    %mul3A_2 = arith.muli %add3A, %mul3A_1 : i32
    %eq3A = arith.constant 0 : i32
    %eq3A_3 = arith.cmpi eq, %arg1, %eq3A : i32
    %convert_element_type3A = arith.extui %eq3A_3 : i1 to i32
    %cond3A = arith.constant 0 : i32
    %cond3A_4 = arith.cmpi ne, %convert_element_type3A, %cond3A : i32
    scf.if %cond3A_4 {
      "tpu.region"() ({
        %run_scoped3A = tpu.sem_alloc : memref<!tpu.dma_semaphore, #tpu.memory_space<semaphore_mem>>
        %dma_start3A_344 = arith.constant 0 : i32
        %dma_start3A_345 = arith.constant 0 : i32
        %dma_start3A_346 = tpu.memref_slice %arg6[%dma_start3A_344, %dma_start3A_345] : memref<256x128xf32, #tpu.memory_space<vmem_shared>> -> memref<201x128xf32, #tpu.memory_space<vmem_shared>>
        tpu.enqueue_dma source(%arg2 : memref<201x128xf32, #tpu.memory_space<hbm>>) target(%dma_start3A_346 : memref<201x128xf32, #tpu.memory_space<vmem_shared>>) target_semaphore(%run_scoped3A : memref<!tpu.dma_semaphore, #tpu.memory_space<semaphore_mem>>)
        %dma_wait3A_347 = arith.constant 0 : i32
        %dma_wait3A_348 = arith.constant 0 : i32
        %dma_wait3A_349 = tpu.memref_slice %arg6[%dma_wait3A_347, %dma_wait3A_348] : memref<256x128xf32, #tpu.memory_space<vmem_shared>> -> memref<201x128xf32, #tpu.memory_space<vmem_shared>>
        tpu.wait_dma2 semaphore(%run_scoped3A : memref<!tpu.dma_semaphore, #tpu.memory_space<semaphore_mem>>) src(%arg2 : memref<201x128xf32, #tpu.memory_space<hbm>>) dst(%dma_wait3A_349 : memref<201x128xf32, #tpu.memory_space<vmem_shared>>)
        tpu.yield
      }) : () -> ()
    } else {
    }
    %barrier3A = arith.constant 0 : index
    tpu.barrier barrier_id(%barrier3A)
    "tpu.region"() ({
      %run_scoped3A = tpu.sem_alloc : memref<!tpu.dma_semaphore, #tpu.memory_space<semaphore_mem>>
      %dma_start3A_344 = tpu.memref_slice %arg3[%mul3A_2] : memref<819200xi32, #tpu.memory_space<hbm>> -> memref<25600xi32, #tpu.memory_space<hbm>>
      %dma_start3A_345 = tpu.memref_slice %arg3[%mul3A_2] : memref<819200xi32, #tpu.memory_space<hbm>> -> memref<25600xi32, #tpu.memory_space<hbm>>
      tpu.enqueue_dma source(%dma_start3A_345 : memref<25600xi32, #tpu.memory_space<hbm>>) target(%arg5 : memref<25600xi32, #tpu.memory_space<vmem>>) target_semaphore(%run_scoped3A : memref<!tpu.dma_semaphore, #tpu.memory_space<semaphore_mem>>)
      %dma_wait3A_346 = tpu.memref_slice %arg3[%mul3A_2] : memref<819200xi32, #tpu.memory_space<hbm>> -> memref<25600xi32, #tpu.memory_space<hbm>>
      %dma_wait3A_347 = tpu.memref_slice %arg3[%mul3A_2] : memref<819200xi32, #tpu.memory_space<hbm>> -> memref<25600xi32, #tpu.memory_space<hbm>>
      tpu.wait_dma2 semaphore(%run_scoped3A : memref<!tpu.dma_semaphore, #tpu.memory_space<semaphore_mem>>) src(%dma_wait3A_347 : memref<25600xi32, #tpu.memory_space<hbm>>) dst(%arg5 : memref<25600xi32, #tpu.memory_space<vmem>>)
      tpu.yield
    }) : () -> ()
    %dma_start3A = arith.constant 0 : i32
    %dma_start3A_5 = arith.constant 0 : i32
    %dma_start3A_6 = arith.constant 0 : i32
    %dma_start3A_7 = arith.constant 0 : i32
    %dma_start3A_8 = arith.constant 0 : i32
    %dma_start3A_9 = tpu.memref_slice %arg7[%dma_start3A, %dma_start3A_6, %dma_start3A_7, %dma_start3A_8] : memref<2x2x128x128xf32, #tpu.memory_space<vmem>> -> memref<1x2x128x128xf32, #tpu.memory_space<vmem>>
    %dma_start3A_10 = tpu.memref_squeeze %dma_start3A_9 : memref<1x2x128x128xf32, #tpu.memory_space<vmem>> -> memref<2x128x128xf32, #tpu.memory_space<vmem>>
    %dma_start3A_11 = arith.constant 0 : i32
    %dma_start3A_12 = arith.constant 0 : i32
    %dma_start3A_13 = tpu.memref_slice %dma_start3A_10[%dma_start3A_5, %dma_start3A_11, %dma_start3A_12] : memref<2x128x128xf32, #tpu.memory_space<vmem>> -> memref<1x128x128xf32, #tpu.memory_space<vmem>>
    %dma_start3A_14 = tpu.memref_squeeze %dma_start3A_13 : memref<1x128x128xf32, #tpu.memory_space<vmem>> -> memref<128x128xf32, #tpu.memory_space<vmem>>
    %dma_start3A_15 = arith.constant 0 : i32
    %dma_start3A_16 = tpu.memref_slice %arg5[%dma_start3A_15] : memref<25600xi32, #tpu.memory_space<vmem>> -> memref<128xi32, #tpu.memory_space<vmem>>
    %dma_start3A_17 = arith.constant 0 : i32
    %dma_start3A_18 = arith.constant 0 : i32
    %dma_start3A_19 = tpu.memref_slice %arg6[%dma_start3A_17, %dma_start3A_18] : memref<256x128xf32, #tpu.memory_space<vmem_shared>> -> memref<256x128xf32, #tpu.memory_space<vmem_shared>>
    tpu.enqueue_indirect_dma source(%dma_start3A_19 : memref<256x128xf32, #tpu.memory_space<vmem_shared>>) target(%dma_start3A_14 : memref<128x128xf32, #tpu.memory_space<vmem>>) offsets(%dma_start3A_16 : memref<128xi32, #tpu.memory_space<vmem>>) semaphore(%arg8 : memref<!tpu.dma_semaphore, #tpu.memory_space<semaphore_mem>>)
    %dma_start3A_20 = arith.constant 0 : i32
    %dma_start3A_21 = arith.constant 1 : i32
    %dma_start3A_22 = arith.constant 0 : i32
    %dma_start3A_23 = arith.constant 0 : i32
    %dma_start3A_24 = arith.constant 0 : i32
    %dma_start3A_25 = tpu.memref_slice %arg7[%dma_start3A_20, %dma_start3A_22, %dma_start3A_23, %dma_start3A_24] : memref<2x2x128x128xf32, #tpu.memory_space<vmem>> -> memref<1x2x128x128xf32, #tpu.memory_space<vmem>>
    %dma_start3A_26 = tpu.memref_squeeze %dma_start3A_25 : memref<1x2x128x128xf32, #tpu.memory_space<vmem>> -> memref<2x128x128xf32, #tpu.memory_space<vmem>>
    %dma_start3A_27 = arith.constant 0 : i32
    %dma_start3A_28 = arith.constant 0 : i32
    %dma_start3A_29 = tpu.memref_slice %dma_start3A_26[%dma_start3A_21, %dma_start3A_27, %dma_start3A_28] : memref<2x128x128xf32, #tpu.memory_space<vmem>> -> memref<1x128x128xf32, #tpu.memory_space<vmem>>
    %dma_start3A_30 = tpu.memref_squeeze %dma_start3A_29 : memref<1x128x128xf32, #tpu.memory_space<vmem>> -> memref<128x128xf32, #tpu.memory_space<vmem>>
    %dma_start3A_31 = arith.constant 128 : i32
    %dma_start3A_32 = tpu.memref_slice %arg5[%dma_start3A_31] : memref<25600xi32, #tpu.memory_space<vmem>> -> memref<128xi32, #tpu.memory_space<vmem>>
    %dma_start3A_33 = arith.constant 0 : i32
    %dma_start3A_34 = arith.constant 0 : i32
    %dma_start3A_35 = tpu.memref_slice %arg6[%dma_start3A_33, %dma_start3A_34] : memref<256x128xf32, #tpu.memory_space<vmem_shared>> -> memref<256x128xf32, #tpu.memory_space<vmem_shared>>
    tpu.enqueue_indirect_dma source(%dma_start3A_35 : memref<256x128xf32, #tpu.memory_space<vmem_shared>>) target(%dma_start3A_30 : memref<128x128xf32, #tpu.memory_space<vmem>>) offsets(%dma_start3A_32 : memref<128xi32, #tpu.memory_space<vmem>>) semaphore(%arg8 : memref<!tpu.dma_semaphore, #tpu.memory_space<semaphore_mem>>)
    %dma_wait3A = arith.constant 0 : i32
    %dma_wait3A_36 = arith.constant 0 : i32
    %dma_wait3A_37 = arith.constant 0 : i32
    %dma_wait3A_38 = arith.constant 0 : i32
    %dma_wait3A_39 = arith.constant 0 : i32
    %dma_wait3A_40 = tpu.memref_slice %arg7[%dma_wait3A, %dma_wait3A_37, %dma_wait3A_38, %dma_wait3A_39] : memref<2x2x128x128xf32, #tpu.memory_space<vmem>> -> memref<1x2x128x128xf32, #tpu.memory_space<vmem>>
    %dma_wait3A_41 = tpu.memref_squeeze %dma_wait3A_40 : memref<1x2x128x128xf32, #tpu.memory_space<vmem>> -> memref<2x128x128xf32, #tpu.memory_space<vmem>>
    %dma_wait3A_42 = arith.constant 0 : i32
    %dma_wait3A_43 = arith.constant 0 : i32
    %dma_wait3A_44 = tpu.memref_slice %dma_wait3A_41[%dma_wait3A_36, %dma_wait3A_42, %dma_wait3A_43] : memref<2x128x128xf32, #tpu.memory_space<vmem>> -> memref<1x128x128xf32, #tpu.memory_space<vmem>>
    %dma_wait3A_45 = tpu.memref_squeeze %dma_wait3A_44 : memref<1x128x128xf32, #tpu.memory_space<vmem>> -> memref<128x128xf32, #tpu.memory_space<vmem>>
    %dma_wait3A_46 = arith.constant 0 : i32
    %dma_wait3A_47 = tpu.memref_slice %arg5[%dma_wait3A_46] : memref<25600xi32, #tpu.memory_space<vmem>> -> memref<128xi32, #tpu.memory_space<vmem>>
    %dma_wait3A_48 = arith.constant 0 : i32
    %dma_wait3A_49 = arith.constant 0 : i32
    %dma_wait3A_50 = tpu.memref_slice %arg6[%dma_wait3A_48, %dma_wait3A_49] : memref<256x128xf32, #tpu.memory_space<vmem_shared>> -> memref<256x128xf32, #tpu.memory_space<vmem_shared>>
    tpu.wait_indirect_dma semaphore(%arg8 : memref<!tpu.dma_semaphore, #tpu.memory_space<semaphore_mem>>) src(%dma_wait3A_50 : memref<256x128xf32, #tpu.memory_space<vmem_shared>>) dst(%dma_wait3A_45 : memref<128x128xf32, #tpu.memory_space<vmem>>)
    %dma_wait3A_51 = arith.constant 0 : i32
    %dma_wait3A_52 = arith.constant 1 : i32
    %dma_wait3A_53 = arith.constant 0 : i32
    %dma_wait3A_54 = arith.constant 0 : i32
    %dma_wait3A_55 = arith.constant 0 : i32
    %dma_wait3A_56 = tpu.memref_slice %arg7[%dma_wait3A_51, %dma_wait3A_53, %dma_wait3A_54, %dma_wait3A_55] : memref<2x2x128x128xf32, #tpu.memory_space<vmem>> -> memref<1x2x128x128xf32, #tpu.memory_space<vmem>>
    %dma_wait3A_57 = tpu.memref_squeeze %dma_wait3A_56 : memref<1x2x128x128xf32, #tpu.memory_space<vmem>> -> memref<2x128x128xf32, #tpu.memory_space<vmem>>
    %dma_wait3A_58 = arith.constant 0 : i32
    %dma_wait3A_59 = arith.constant 0 : i32
    %dma_wait3A_60 = tpu.memref_slice %dma_wait3A_57[%dma_wait3A_52, %dma_wait3A_58, %dma_wait3A_59] : memref<2x128x128xf32, #tpu.memory_space<vmem>> -> memref<1x128x128xf32, #tpu.memory_space<vmem>>
    %dma_wait3A_61 = tpu.memref_squeeze %dma_wait3A_60 : memref<1x128x128xf32, #tpu.memory_space<vmem>> -> memref<128x128xf32, #tpu.memory_space<vmem>>
    %dma_wait3A_62 = arith.constant 128 : i32
    %dma_wait3A_63 = tpu.memref_slice %arg5[%dma_wait3A_62] : memref<25600xi32, #tpu.memory_space<vmem>> -> memref<128xi32, #tpu.memory_space<vmem>>
    %dma_wait3A_64 = arith.constant 0 : i32
    %dma_wait3A_65 = arith.constant 0 : i32
    %dma_wait3A_66 = tpu.memref_slice %arg6[%dma_wait3A_64, %dma_wait3A_65] : memref<256x128xf32, #tpu.memory_space<vmem_shared>> -> memref<256x128xf32, #tpu.memory_space<vmem_shared>>
    tpu.wait_indirect_dma semaphore(%arg8 : memref<!tpu.dma_semaphore, #tpu.memory_space<semaphore_mem>>) src(%dma_wait3A_66 : memref<256x128xf32, #tpu.memory_space<vmem_shared>>) dst(%dma_wait3A_61 : memref<128x128xf32, #tpu.memory_space<vmem>>)
    %add3A_67 = arith.constant 0 : i32
    %add3A_68 = arith.addi %mul3A_2, %add3A_67 : i32
    %dma_start3A_69 = arith.constant 0 : i32
    %dma_start3A_70 = arith.constant 0 : i32
    %dma_start3A_71 = arith.constant 0 : i32
    %dma_start3A_72 = arith.constant 0 : i32
    %dma_start3A_73 = arith.constant 0 : i32
    %dma_start3A_74 = tpu.memref_slice %arg7[%dma_start3A_69, %dma_start3A_71, %dma_start3A_72, %dma_start3A_73] : memref<2x2x128x128xf32, #tpu.memory_space<vmem>> -> memref<1x2x128x128xf32, #tpu.memory_space<vmem>>
    %dma_start3A_75 = tpu.memref_squeeze %dma_start3A_74 : memref<1x2x128x128xf32, #tpu.memory_space<vmem>> -> memref<2x128x128xf32, #tpu.memory_space<vmem>>
    %dma_start3A_76 = arith.constant 0 : i32
    %dma_start3A_77 = arith.constant 0 : i32
    %dma_start3A_78 = tpu.memref_slice %dma_start3A_75[%dma_start3A_70, %dma_start3A_76, %dma_start3A_77] : memref<2x128x128xf32, #tpu.memory_space<vmem>> -> memref<1x128x128xf32, #tpu.memory_space<vmem>>
    %dma_start3A_79 = tpu.memref_squeeze %dma_start3A_78 : memref<1x128x128xf32, #tpu.memory_space<vmem>> -> memref<128x128xf32, #tpu.memory_space<vmem>>
    %dma_start3A_80 = arith.constant 0 : i32
    %dma_start3A_81 = tpu.memref_slice %arg4[%add3A_68, %dma_start3A_80] : memref<819200x128xf32, #tpu.memory_space<hbm>> -> memref<128x128xf32, #tpu.memory_space<hbm>>
    %dma_start3A_82 = arith.constant 0 : i32
    %dma_start3A_83 = tpu.memref_slice %arg4[%add3A_68, %dma_start3A_82] : memref<819200x128xf32, #tpu.memory_space<hbm>> -> memref<128x128xf32, #tpu.memory_space<hbm>>
    %dma_start3A_84 = arith.constant 0 : i32
    %dma_start3A_85 = arith.constant 0 : i32
    %dma_start3A_86 = arith.constant 0 : i32
    %dma_start3A_87 = tpu.memref_slice %arg7[%dma_start3A_69, %dma_start3A_84, %dma_start3A_85, %dma_start3A_86] : memref<2x2x128x128xf32, #tpu.memory_space<vmem>> -> memref<1x2x128x128xf32, #tpu.memory_space<vmem>>
    %dma_start3A_88 = tpu.memref_squeeze %dma_start3A_87 : memref<1x2x128x128xf32, #tpu.memory_space<vmem>> -> memref<2x128x128xf32, #tpu.memory_space<vmem>>
    %dma_start3A_89 = arith.constant 0 : i32
    %dma_start3A_90 = arith.constant 0 : i32
    %dma_start3A_91 = tpu.memref_slice %dma_start3A_88[%dma_start3A_70, %dma_start3A_89, %dma_start3A_90] : memref<2x128x128xf32, #tpu.memory_space<vmem>> -> memref<1x128x128xf32, #tpu.memory_space<vmem>>
    %dma_start3A_92 = tpu.memref_squeeze %dma_start3A_91 : memref<1x128x128xf32, #tpu.memory_space<vmem>> -> memref<128x128xf32, #tpu.memory_space<vmem>>
    tpu.enqueue_dma source(%dma_start3A_92 : memref<128x128xf32, #tpu.memory_space<vmem>>) target(%dma_start3A_83 : memref<128x128xf32, #tpu.memory_space<hbm>>) target_semaphore(%arg9 : memref<!tpu.dma_semaphore, #tpu.memory_space<semaphore_mem>>)
    %add3A_93 = arith.constant 128 : i32
    %add3A_94 = arith.addi %mul3A_2, %add3A_93 : i32
    %dma_start3A_95 = arith.constant 0 : i32
    %dma_start3A_96 = arith.constant 1 : i32
    %dma_start3A_97 = arith.constant 0 : i32
    %dma_start3A_98 = arith.constant 0 : i32
    %dma_start3A_99 = arith.constant 0 : i32
    %dma_start3A_100 = tpu.memref_slice %arg7[%dma_start3A_95, %dma_start3A_97, %dma_start3A_98, %dma_start3A_99] : memref<2x2x128x128xf32, #tpu.memory_space<vmem>> -> memref<1x2x128x128xf32, #tpu.memory_space<vmem>>
    %dma_start3A_101 = tpu.memref_squeeze %dma_start3A_100 : memref<1x2x128x128xf32, #tpu.memory_space<vmem>> -> memref<2x128x128xf32, #tpu.memory_space<vmem>>
    %dma_start3A_102 = arith.constant 0 : i32
    %dma_start3A_103 = arith.constant 0 : i32
    %dma_start3A_104 = tpu.memref_slice %dma_start3A_101[%dma_start3A_96, %dma_start3A_102, %dma_start3A_103] : memref<2x128x128xf32, #tpu.memory_space<vmem>> -> memref<1x128x128xf32, #tpu.memory_space<vmem>>
    %dma_start3A_105 = tpu.memref_squeeze %dma_start3A_104 : memref<1x128x128xf32, #tpu.memory_space<vmem>> -> memref<128x128xf32, #tpu.memory_space<vmem>>
    %dma_start3A_106 = arith.constant 0 : i32
    %dma_start3A_107 = tpu.memref_slice %arg4[%add3A_94, %dma_start3A_106] : memref<819200x128xf32, #tpu.memory_space<hbm>> -> memref<128x128xf32, #tpu.memory_space<hbm>>
    %dma_start3A_108 = arith.constant 0 : i32
    %dma_start3A_109 = tpu.memref_slice %arg4[%add3A_94, %dma_start3A_108] : memref<819200x128xf32, #tpu.memory_space<hbm>> -> memref<128x128xf32, #tpu.memory_space<hbm>>
    %dma_start3A_110 = arith.constant 0 : i32
    %dma_start3A_111 = arith.constant 0 : i32
    %dma_start3A_112 = arith.constant 0 : i32
    %dma_start3A_113 = tpu.memref_slice %arg7[%dma_start3A_95, %dma_start3A_110, %dma_start3A_111, %dma_start3A_112] : memref<2x2x128x128xf32, #tpu.memory_space<vmem>> -> memref<1x2x128x128xf32, #tpu.memory_space<vmem>>
    %dma_start3A_114 = tpu.memref_squeeze %dma_start3A_113 : memref<1x2x128x128xf32, #tpu.memory_space<vmem>> -> memref<2x128x128xf32, #tpu.memory_space<vmem>>
    %dma_start3A_115 = arith.constant 0 : i32
    %dma_start3A_116 = arith.constant 0 : i32
    %dma_start3A_117 = tpu.memref_slice %dma_start3A_114[%dma_start3A_96, %dma_start3A_115, %dma_start3A_116] : memref<2x128x128xf32, #tpu.memory_space<vmem>> -> memref<1x128x128xf32, #tpu.memory_space<vmem>>
    %dma_start3A_118 = tpu.memref_squeeze %dma_start3A_117 : memref<1x128x128xf32, #tpu.memory_space<vmem>> -> memref<128x128xf32, #tpu.memory_space<vmem>>
    tpu.enqueue_dma source(%dma_start3A_118 : memref<128x128xf32, #tpu.memory_space<vmem>>) target(%dma_start3A_109 : memref<128x128xf32, #tpu.memory_space<hbm>>) target_semaphore(%arg9 : memref<!tpu.dma_semaphore, #tpu.memory_space<semaphore_mem>>)
    %dma_start3A_119 = arith.constant 1 : i32
    %dma_start3A_120 = arith.constant 0 : i32
    %dma_start3A_121 = arith.constant 0 : i32
    %dma_start3A_122 = arith.constant 0 : i32
    %dma_start3A_123 = arith.constant 0 : i32
    %dma_start3A_124 = tpu.memref_slice %arg7[%dma_start3A_119, %dma_start3A_121, %dma_start3A_122, %dma_start3A_123] : memref<2x2x128x128xf32, #tpu.memory_space<vmem>> -> memref<1x2x128x128xf32, #tpu.memory_space<vmem>>
    %dma_start3A_125 = tpu.memref_squeeze %dma_start3A_124 : memref<1x2x128x128xf32, #tpu.memory_space<vmem>> -> memref<2x128x128xf32, #tpu.memory_space<vmem>>
    %dma_start3A_126 = arith.constant 0 : i32
    %dma_start3A_127 = arith.constant 0 : i32
    %dma_start3A_128 = tpu.memref_slice %dma_start3A_125[%dma_start3A_120, %dma_start3A_126, %dma_start3A_127] : memref<2x128x128xf32, #tpu.memory_space<vmem>> -> memref<1x128x128xf32, #tpu.memory_space<vmem>>
    %dma_start3A_129 = tpu.memref_squeeze %dma_start3A_128 : memref<1x128x128xf32, #tpu.memory_space<vmem>> -> memref<128x128xf32, #tpu.memory_space<vmem>>
    %dma_start3A_130 = arith.constant 256 : i32
    %dma_start3A_131 = tpu.memref_slice %arg5[%dma_start3A_130] : memref<25600xi32, #tpu.memory_space<vmem>> -> memref<128xi32, #tpu.memory_space<vmem>>
    %dma_start3A_132 = arith.constant 0 : i32
    %dma_start3A_133 = arith.constant 0 : i32
    %dma_start3A_134 = tpu.memref_slice %arg6[%dma_start3A_132, %dma_start3A_133] : memref<256x128xf32, #tpu.memory_space<vmem_shared>> -> memref<256x128xf32, #tpu.memory_space<vmem_shared>>
    tpu.enqueue_indirect_dma source(%dma_start3A_134 : memref<256x128xf32, #tpu.memory_space<vmem_shared>>) target(%dma_start3A_129 : memref<128x128xf32, #tpu.memory_space<vmem>>) offsets(%dma_start3A_131 : memref<128xi32, #tpu.memory_space<vmem>>) semaphore(%arg8 : memref<!tpu.dma_semaphore, #tpu.memory_space<semaphore_mem>>)
    %dma_start3A_135 = arith.constant 1 : i32
    %dma_start3A_136 = arith.constant 1 : i32
    %dma_start3A_137 = arith.constant 0 : i32
    %dma_start3A_138 = arith.constant 0 : i32
    %dma_start3A_139 = arith.constant 0 : i32
    %dma_start3A_140 = tpu.memref_slice %arg7[%dma_start3A_135, %dma_start3A_137, %dma_start3A_138, %dma_start3A_139] : memref<2x2x128x128xf32, #tpu.memory_space<vmem>> -> memref<1x2x128x128xf32, #tpu.memory_space<vmem>>
    %dma_start3A_141 = tpu.memref_squeeze %dma_start3A_140 : memref<1x2x128x128xf32, #tpu.memory_space<vmem>> -> memref<2x128x128xf32, #tpu.memory_space<vmem>>
    %dma_start3A_142 = arith.constant 0 : i32
    %dma_start3A_143 = arith.constant 0 : i32
    %dma_start3A_144 = tpu.memref_slice %dma_start3A_141[%dma_start3A_136, %dma_start3A_142, %dma_start3A_143] : memref<2x128x128xf32, #tpu.memory_space<vmem>> -> memref<1x128x128xf32, #tpu.memory_space<vmem>>
    %dma_start3A_145 = tpu.memref_squeeze %dma_start3A_144 : memref<1x128x128xf32, #tpu.memory_space<vmem>> -> memref<128x128xf32, #tpu.memory_space<vmem>>
    %dma_start3A_146 = arith.constant 384 : i32
    %dma_start3A_147 = tpu.memref_slice %arg5[%dma_start3A_146] : memref<25600xi32, #tpu.memory_space<vmem>> -> memref<128xi32, #tpu.memory_space<vmem>>
    %dma_start3A_148 = arith.constant 0 : i32
    %dma_start3A_149 = arith.constant 0 : i32
    %dma_start3A_150 = tpu.memref_slice %arg6[%dma_start3A_148, %dma_start3A_149] : memref<256x128xf32, #tpu.memory_space<vmem_shared>> -> memref<256x128xf32, #tpu.memory_space<vmem_shared>>
    tpu.enqueue_indirect_dma source(%dma_start3A_150 : memref<256x128xf32, #tpu.memory_space<vmem_shared>>) target(%dma_start3A_145 : memref<128x128xf32, #tpu.memory_space<vmem>>) offsets(%dma_start3A_147 : memref<128xi32, #tpu.memory_space<vmem>>) semaphore(%arg8 : memref<!tpu.dma_semaphore, #tpu.memory_space<semaphore_mem>>)
    %scan3A = arith.constant 0 : i32
    %scan3A_151 = arith.constant 0 : i32
    %scan3A_152 = arith.constant 49 : i32
    %scan3A_153 = arith.addi %scan3A_151, %scan3A_152 : i32
    %scan3A_154 = arith.constant 1 : i32
    scf.for %scan3A_344 = %scan3A_151 to %scan3A_153 step %scan3A_154  : i32 {
      %mul3A_345 = arith.constant 2 : i32
      %mul3A_346 = arith.muli %mul3A_345, %scan3A_344 : i32
      %add3A_347 = arith.constant 1 : i32
      %add3A_348 = arith.addi %mul3A_346, %add3A_347 : i32
      %mul3A_349 = arith.constant 2 : i32
      %mul3A_350 = arith.muli %add3A_348, %mul3A_349 : i32
      %add3A_351 = arith.constant 0 : i32
      %add3A_352 = arith.addi %mul3A_350, %add3A_351 : i32
      %mul3A_353 = arith.constant 128 : i32
      %mul3A_354 = arith.muli %add3A_352, %mul3A_353 : i32
      %dma_wait3A_355 = arith.constant 1 : i32
      %dma_wait3A_356 = arith.constant 0 : i32
      %dma_wait3A_357 = arith.constant 0 : i32
      %dma_wait3A_358 = arith.constant 0 : i32
      %dma_wait3A_359 = arith.constant 0 : i32
      %dma_wait3A_360 = tpu.memref_slice %arg7[%dma_wait3A_355, %dma_wait3A_357, %dma_wait3A_358, %dma_wait3A_359] : memref<2x2x128x128xf32, #tpu.memory_space<vmem>> -> memref<1x2x128x128xf32, #tpu.memory_space<vmem>>
      %dma_wait3A_361 = tpu.memref_squeeze %dma_wait3A_360 : memref<1x2x128x128xf32, #tpu.memory_space<vmem>> -> memref<2x128x128xf32, #tpu.memory_space<vmem>>
      %dma_wait3A_362 = arith.constant 0 : i32
      %dma_wait3A_363 = arith.constant 0 : i32
      %dma_wait3A_364 = tpu.memref_slice %dma_wait3A_361[%dma_wait3A_356, %dma_wait3A_362, %dma_wait3A_363] : memref<2x128x128xf32, #tpu.memory_space<vmem>> -> memref<1x128x128xf32, #tpu.memory_space<vmem>>
      %dma_wait3A_365 = tpu.memref_squeeze %dma_wait3A_364 : memref<1x128x128xf32, #tpu.memory_space<vmem>> -> memref<128x128xf32, #tpu.memory_space<vmem>>
      %dma_wait3A_366 = tpu.memref_slice %arg5[%mul3A_354] : memref<25600xi32, #tpu.memory_space<vmem>> -> memref<128xi32, #tpu.memory_space<vmem>>
      %dma_wait3A_367 = arith.constant 0 : i32
      %dma_wait3A_368 = arith.constant 0 : i32
      %dma_wait3A_369 = tpu.memref_slice %arg6[%dma_wait3A_367, %dma_wait3A_368] : memref<256x128xf32, #tpu.memory_space<vmem_shared>> -> memref<256x128xf32, #tpu.memory_space<vmem_shared>>
      tpu.wait_indirect_dma semaphore(%arg8 : memref<!tpu.dma_semaphore, #tpu.memory_space<semaphore_mem>>) src(%dma_wait3A_369 : memref<256x128xf32, #tpu.memory_space<vmem_shared>>) dst(%dma_wait3A_365 : memref<128x128xf32, #tpu.memory_space<vmem>>)
      %mul3A_370 = arith.constant 2 : i32
      %mul3A_371 = arith.muli %add3A_348, %mul3A_370 : i32
      %add3A_372 = arith.constant 1 : i32
      %add3A_373 = arith.addi %mul3A_371, %add3A_372 : i32
      %mul3A_374 = arith.constant 128 : i32
      %mul3A_375 = arith.muli %add3A_373, %mul3A_374 : i32
      %dma_wait3A_376 = arith.constant 1 : i32
      %dma_wait3A_377 = arith.constant 1 : i32
      %dma_wait3A_378 = arith.constant 0 : i32
      %dma_wait3A_379 = arith.constant 0 : i32
      %dma_wait3A_380 = arith.constant 0 : i32
      %dma_wait3A_381 = tpu.memref_slice %arg7[%dma_wait3A_376, %dma_wait3A_378, %dma_wait3A_379, %dma_wait3A_380] : memref<2x2x128x128xf32, #tpu.memory_space<vmem>> -> memref<1x2x128x128xf32, #tpu.memory_space<vmem>>
      %dma_wait3A_382 = tpu.memref_squeeze %dma_wait3A_381 : memref<1x2x128x128xf32, #tpu.memory_space<vmem>> -> memref<2x128x128xf32, #tpu.memory_space<vmem>>
      %dma_wait3A_383 = arith.constant 0 : i32
      %dma_wait3A_384 = arith.constant 0 : i32
      %dma_wait3A_385 = tpu.memref_slice %dma_wait3A_382[%dma_wait3A_377, %dma_wait3A_383, %dma_wait3A_384] : memref<2x128x128xf32, #tpu.memory_space<vmem>> -> memref<1x128x128xf32, #tpu.memory_space<vmem>>
      %dma_wait3A_386 = tpu.memref_squeeze %dma_wait3A_385 : memref<1x128x128xf32, #tpu.memory_space<vmem>> -> memref<128x128xf32, #tpu.memory_space<vmem>>
      %dma_wait3A_387 = tpu.memref_slice %arg5[%mul3A_375] : memref<25600xi32, #tpu.memory_space<vmem>> -> memref<128xi32, #tpu.memory_space<vmem>>
      %dma_wait3A_388 = arith.constant 0 : i32
      %dma_wait3A_389 = arith.constant 0 : i32
      %dma_wait3A_390 = tpu.memref_slice %arg6[%dma_wait3A_388, %dma_wait3A_389] : memref<256x128xf32, #tpu.memory_space<vmem_shared>> -> memref<256x128xf32, #tpu.memory_space<vmem_shared>>
      tpu.wait_indirect_dma semaphore(%arg8 : memref<!tpu.dma_semaphore, #tpu.memory_space<semaphore_mem>>) src(%dma_wait3A_390 : memref<256x128xf32, #tpu.memory_space<vmem_shared>>) dst(%dma_wait3A_386 : memref<128x128xf32, #tpu.memory_space<vmem>>)
      %sub3A = arith.constant 1 : i32
      %sub3A_391 = arith.subi %add3A_348, %sub3A : i32
      %mul3A_392 = arith.constant 2 : i32
      %mul3A_393 = arith.muli %sub3A_391, %mul3A_392 : i32
      %add3A_394 = arith.constant 0 : i32
      %add3A_395 = arith.addi %mul3A_393, %add3A_394 : i32
      %mul3A_396 = arith.constant 128 : i32
      %mul3A_397 = arith.muli %add3A_395, %mul3A_396 : i32
      %add3A_398 = arith.addi %mul3A_2, %mul3A_397 : i32
      %dma_wait3A_399 = arith.constant 0 : i32
      %dma_wait3A_400 = arith.constant 0 : i32
      %dma_wait3A_401 = arith.constant 0 : i32
      %dma_wait3A_402 = arith.constant 0 : i32
      %dma_wait3A_403 = arith.constant 0 : i32
      %dma_wait3A_404 = tpu.memref_slice %arg7[%dma_wait3A_399, %dma_wait3A_401, %dma_wait3A_402, %dma_wait3A_403] : memref<2x2x128x128xf32, #tpu.memory_space<vmem>> -> memref<1x2x128x128xf32, #tpu.memory_space<vmem>>
      %dma_wait3A_405 = tpu.memref_squeeze %dma_wait3A_404 : memref<1x2x128x128xf32, #tpu.memory_space<vmem>> -> memref<2x128x128xf32, #tpu.memory_space<vmem>>
      %dma_wait3A_406 = arith.constant 0 : i32
      %dma_wait3A_407 = arith.constant 0 : i32
      %dma_wait3A_408 = tpu.memref_slice %dma_wait3A_405[%dma_wait3A_400, %dma_wait3A_406, %dma_wait3A_407] : memref<2x128x128xf32, #tpu.memory_space<vmem>> -> memref<1x128x128xf32, #tpu.memory_space<vmem>>
      %dma_wait3A_409 = tpu.memref_squeeze %dma_wait3A_408 : memref<1x128x128xf32, #tpu.memory_space<vmem>> -> memref<128x128xf32, #tpu.memory_space<vmem>>
      %dma_wait3A_410 = arith.constant 0 : i32
      %dma_wait3A_411 = tpu.memref_slice %arg4[%add3A_398, %dma_wait3A_410] : memref<819200x128xf32, #tpu.memory_space<hbm>> -> memref<128x128xf32, #tpu.memory_space<hbm>>
      %dma_wait3A_412 = arith.constant 0 : i32
      %dma_wait3A_413 = tpu.memref_slice %arg4[%add3A_398, %dma_wait3A_412] : memref<819200x128xf32, #tpu.memory_space<hbm>> -> memref<128x128xf32, #tpu.memory_space<hbm>>
      %dma_wait3A_414 = arith.constant 0 : i32
      %dma_wait3A_415 = arith.constant 0 : i32
      %dma_wait3A_416 = arith.constant 0 : i32
      %dma_wait3A_417 = tpu.memref_slice %arg7[%dma_wait3A_399, %dma_wait3A_414, %dma_wait3A_415, %dma_wait3A_416] : memref<2x2x128x128xf32, #tpu.memory_space<vmem>> -> memref<1x2x128x128xf32, #tpu.memory_space<vmem>>
      %dma_wait3A_418 = tpu.memref_squeeze %dma_wait3A_417 : memref<1x2x128x128xf32, #tpu.memory_space<vmem>> -> memref<2x128x128xf32, #tpu.memory_space<vmem>>
      %dma_wait3A_419 = arith.constant 0 : i32
      %dma_wait3A_420 = arith.constant 0 : i32
      %dma_wait3A_421 = tpu.memref_slice %dma_wait3A_418[%dma_wait3A_400, %dma_wait3A_419, %dma_wait3A_420] : memref<2x128x128xf32, #tpu.memory_space<vmem>> -> memref<1x128x128xf32, #tpu.memory_space<vmem>>
      %dma_wait3A_422 = tpu.memref_squeeze %dma_wait3A_421 : memref<1x128x128xf32, #tpu.memory_space<vmem>> -> memref<128x128xf32, #tpu.memory_space<vmem>>
      tpu.wait_dma2 semaphore(%arg9 : memref<!tpu.dma_semaphore, #tpu.memory_space<semaphore_mem>>) src(%dma_wait3A_422 : memref<128x128xf32, #tpu.memory_space<vmem>>) dst(%dma_wait3A_413 : memref<128x128xf32, #tpu.memory_space<hbm>>)
      %mul3A_423 = arith.constant 2 : i32
      %mul3A_424 = arith.muli %sub3A_391, %mul3A_423 : i32
      %add3A_425 = arith.constant 1 : i32
      %add3A_426 = arith.addi %mul3A_424, %add3A_425 : i32
      %mul3A_427 = arith.constant 128 : i32
      %mul3A_428 = arith.muli %add3A_426, %mul3A_427 : i32
      %add3A_429 = arith.addi %mul3A_2, %mul3A_428 : i32
      %dma_wait3A_430 = arith.constant 0 : i32
      %dma_wait3A_431 = arith.constant 1 : i32
      %dma_wait3A_432 = arith.constant 0 : i32
      %dma_wait3A_433 = arith.constant 0 : i32
      %dma_wait3A_434 = arith.constant 0 : i32
      %dma_wait3A_435 = tpu.memref_slice %arg7[%dma_wait3A_430, %dma_wait3A_432, %dma_wait3A_433, %dma_wait3A_434] : memref<2x2x128x128xf32, #tpu.memory_space<vmem>> -> memref<1x2x128x128xf32, #tpu.memory_space<vmem>>
      %dma_wait3A_436 = tpu.memref_squeeze %dma_wait3A_435 : memref<1x2x128x128xf32, #tpu.memory_space<vmem>> -> memref<2x128x128xf32, #tpu.memory_space<vmem>>
      %dma_wait3A_437 = arith.constant 0 : i32
      %dma_wait3A_438 = arith.constant 0 : i32
      %dma_wait3A_439 = tpu.memref_slice %dma_wait3A_436[%dma_wait3A_431, %dma_wait3A_437, %dma_wait3A_438] : memref<2x128x128xf32, #tpu.memory_space<vmem>> -> memref<1x128x128xf32, #tpu.memory_space<vmem>>
      %dma_wait3A_440 = tpu.memref_squeeze %dma_wait3A_439 : memref<1x128x128xf32, #tpu.memory_space<vmem>> -> memref<128x128xf32, #tpu.memory_space<vmem>>
      %dma_wait3A_441 = arith.constant 0 : i32
      %dma_wait3A_442 = tpu.memref_slice %arg4[%add3A_429, %dma_wait3A_441] : memref<819200x128xf32, #tpu.memory_space<hbm>> -> memref<128x128xf32, #tpu.memory_space<hbm>>
      %dma_wait3A_443 = arith.constant 0 : i32
      %dma_wait3A_444 = tpu.memref_slice %arg4[%add3A_429, %dma_wait3A_443] : memref<819200x128xf32, #tpu.memory_space<hbm>> -> memref<128x128xf32, #tpu.memory_space<hbm>>
      %dma_wait3A_445 = arith.constant 0 : i32
      %dma_wait3A_446 = arith.constant 0 : i32
      %dma_wait3A_447 = arith.constant 0 : i32
      %dma_wait3A_448 = tpu.memref_slice %arg7[%dma_wait3A_430, %dma_wait3A_445, %dma_wait3A_446, %dma_wait3A_447] : memref<2x2x128x128xf32, #tpu.memory_space<vmem>> -> memref<1x2x128x128xf32, #tpu.memory_space<vmem>>
      %dma_wait3A_449 = tpu.memref_squeeze %dma_wait3A_448 : memref<1x2x128x128xf32, #tpu.memory_space<vmem>> -> memref<2x128x128xf32, #tpu.memory_space<vmem>>
      %dma_wait3A_450 = arith.constant 0 : i32
      %dma_wait3A_451 = arith.constant 0 : i32
      %dma_wait3A_452 = tpu.memref_slice %dma_wait3A_449[%dma_wait3A_431, %dma_wait3A_450, %dma_wait3A_451] : memref<2x128x128xf32, #tpu.memory_space<vmem>> -> memref<1x128x128xf32, #tpu.memory_space<vmem>>
      %dma_wait3A_453 = tpu.memref_squeeze %dma_wait3A_452 : memref<1x128x128xf32, #tpu.memory_space<vmem>> -> memref<128x128xf32, #tpu.memory_space<vmem>>
      tpu.wait_dma2 semaphore(%arg9 : memref<!tpu.dma_semaphore, #tpu.memory_space<semaphore_mem>>) src(%dma_wait3A_453 : memref<128x128xf32, #tpu.memory_space<vmem>>) dst(%dma_wait3A_444 : memref<128x128xf32, #tpu.memory_space<hbm>>)
      %mul3A_454 = arith.constant 2 : i32
      %mul3A_455 = arith.muli %add3A_348, %mul3A_454 : i32
      %add3A_456 = arith.constant 0 : i32
      %add3A_457 = arith.addi %mul3A_455, %add3A_456 : i32
      %mul3A_458 = arith.constant 128 : i32
      %mul3A_459 = arith.muli %add3A_457, %mul3A_458 : i32
      %add3A_460 = arith.addi %mul3A_2, %mul3A_459 : i32
      %dma_start3A_461 = arith.constant 1 : i32
      %dma_start3A_462 = arith.constant 0 : i32
      %dma_start3A_463 = arith.constant 0 : i32
      %dma_start3A_464 = arith.constant 0 : i32
      %dma_start3A_465 = arith.constant 0 : i32
      %dma_start3A_466 = tpu.memref_slice %arg7[%dma_start3A_461, %dma_start3A_463, %dma_start3A_464, %dma_start3A_465] : memref<2x2x128x128xf32, #tpu.memory_space<vmem>> -> memref<1x2x128x128xf32, #tpu.memory_space<vmem>>
      %dma_start3A_467 = tpu.memref_squeeze %dma_start3A_466 : memref<1x2x128x128xf32, #tpu.memory_space<vmem>> -> memref<2x128x128xf32, #tpu.memory_space<vmem>>
      %dma_start3A_468 = arith.constant 0 : i32
      %dma_start3A_469 = arith.constant 0 : i32
      %dma_start3A_470 = tpu.memref_slice %dma_start3A_467[%dma_start3A_462, %dma_start3A_468, %dma_start3A_469] : memref<2x128x128xf32, #tpu.memory_space<vmem>> -> memref<1x128x128xf32, #tpu.memory_space<vmem>>
      %dma_start3A_471 = tpu.memref_squeeze %dma_start3A_470 : memref<1x128x128xf32, #tpu.memory_space<vmem>> -> memref<128x128xf32, #tpu.memory_space<vmem>>
      %dma_start3A_472 = arith.constant 0 : i32
      %dma_start3A_473 = tpu.memref_slice %arg4[%add3A_460, %dma_start3A_472] : memref<819200x128xf32, #tpu.memory_space<hbm>> -> memref<128x128xf32, #tpu.memory_space<hbm>>
      %dma_start3A_474 = arith.constant 0 : i32
      %dma_start3A_475 = tpu.memref_slice %arg4[%add3A_460, %dma_start3A_474] : memref<819200x128xf32, #tpu.memory_space<hbm>> -> memref<128x128xf32, #tpu.memory_space<hbm>>
      %dma_start3A_476 = arith.constant 0 : i32
      %dma_start3A_477 = arith.constant 0 : i32
      %dma_start3A_478 = arith.constant 0 : i32
      %dma_start3A_479 = tpu.memref_slice %arg7[%dma_start3A_461, %dma_start3A_476, %dma_start3A_477, %dma_start3A_478] : memref<2x2x128x128xf32, #tpu.memory_space<vmem>> -> memref<1x2x128x128xf32, #tpu.memory_space<vmem>>
      %dma_start3A_480 = tpu.memref_squeeze %dma_start3A_479 : memref<1x2x128x128xf32, #tpu.memory_space<vmem>> -> memref<2x128x128xf32, #tpu.memory_space<vmem>>
      %dma_start3A_481 = arith.constant 0 : i32
      %dma_start3A_482 = arith.constant 0 : i32
      %dma_start3A_483 = tpu.memref_slice %dma_start3A_480[%dma_start3A_462, %dma_start3A_481, %dma_start3A_482] : memref<2x128x128xf32, #tpu.memory_space<vmem>> -> memref<1x128x128xf32, #tpu.memory_space<vmem>>
      %dma_start3A_484 = tpu.memref_squeeze %dma_start3A_483 : memref<1x128x128xf32, #tpu.memory_space<vmem>> -> memref<128x128xf32, #tpu.memory_space<vmem>>
      tpu.enqueue_dma source(%dma_start3A_484 : memref<128x128xf32, #tpu.memory_space<vmem>>) target(%dma_start3A_475 : memref<128x128xf32, #tpu.memory_space<hbm>>) target_semaphore(%arg9 : memref<!tpu.dma_semaphore, #tpu.memory_space<semaphore_mem>>)
      %mul3A_485 = arith.constant 2 : i32
      %mul3A_486 = arith.muli %add3A_348, %mul3A_485 : i32
      %add3A_487 = arith.constant 1 : i32
      %add3A_488 = arith.addi %mul3A_486, %add3A_487 : i32
      %mul3A_489 = arith.constant 128 : i32
      %mul3A_490 = arith.muli %add3A_488, %mul3A_489 : i32
      %add3A_491 = arith.addi %mul3A_2, %mul3A_490 : i32
      %dma_start3A_492 = arith.constant 1 : i32
      %dma_start3A_493 = arith.constant 1 : i32
      %dma_start3A_494 = arith.constant 0 : i32
      %dma_start3A_495 = arith.constant 0 : i32
      %dma_start3A_496 = arith.constant 0 : i32
      %dma_start3A_497 = tpu.memref_slice %arg7[%dma_start3A_492, %dma_start3A_494, %dma_start3A_495, %dma_start3A_496] : memref<2x2x128x128xf32, #tpu.memory_space<vmem>> -> memref<1x2x128x128xf32, #tpu.memory_space<vmem>>
      %dma_start3A_498 = tpu.memref_squeeze %dma_start3A_497 : memref<1x2x128x128xf32, #tpu.memory_space<vmem>> -> memref<2x128x128xf32, #tpu.memory_space<vmem>>
      %dma_start3A_499 = arith.constant 0 : i32
      %dma_start3A_500 = arith.constant 0 : i32
      %dma_start3A_501 = tpu.memref_slice %dma_start3A_498[%dma_start3A_493, %dma_start3A_499, %dma_start3A_500] : memref<2x128x128xf32, #tpu.memory_space<vmem>> -> memref<1x128x128xf32, #tpu.memory_space<vmem>>
      %dma_start3A_502 = tpu.memref_squeeze %dma_start3A_501 : memref<1x128x128xf32, #tpu.memory_space<vmem>> -> memref<128x128xf32, #tpu.memory_space<vmem>>
      %dma_start3A_503 = arith.constant 0 : i32
      %dma_start3A_504 = tpu.memref_slice %arg4[%add3A_491, %dma_start3A_503] : memref<819200x128xf32, #tpu.memory_space<hbm>> -> memref<128x128xf32, #tpu.memory_space<hbm>>
      %dma_start3A_505 = arith.constant 0 : i32
      %dma_start3A_506 = tpu.memref_slice %arg4[%add3A_491, %dma_start3A_505] : memref<819200x128xf32, #tpu.memory_space<hbm>> -> memref<128x128xf32, #tpu.memory_space<hbm>>
      %dma_start3A_507 = arith.constant 0 : i32
      %dma_start3A_508 = arith.constant 0 : i32
      %dma_start3A_509 = arith.constant 0 : i32
      %dma_start3A_510 = tpu.memref_slice %arg7[%dma_start3A_492, %dma_start3A_507, %dma_start3A_508, %dma_start3A_509] : memref<2x2x128x128xf32, #tpu.memory_space<vmem>> -> memref<1x2x128x128xf32, #tpu.memory_space<vmem>>
      %dma_start3A_511 = tpu.memref_squeeze %dma_start3A_510 : memref<1x2x128x128xf32, #tpu.memory_space<vmem>> -> memref<2x128x128xf32, #tpu.memory_space<vmem>>
      %dma_start3A_512 = arith.constant 0 : i32
      %dma_start3A_513 = arith.constant 0 : i32
      %dma_start3A_514 = tpu.memref_slice %dma_start3A_511[%dma_start3A_493, %dma_start3A_512, %dma_start3A_513] : memref<2x128x128xf32, #tpu.memory_space<vmem>> -> memref<1x128x128xf32, #tpu.memory_space<vmem>>
      %dma_start3A_515 = tpu.memref_squeeze %dma_start3A_514 : memref<1x128x128xf32, #tpu.memory_space<vmem>> -> memref<128x128xf32, #tpu.memory_space<vmem>>
      tpu.enqueue_dma source(%dma_start3A_515 : memref<128x128xf32, #tpu.memory_space<vmem>>) target(%dma_start3A_506 : memref<128x128xf32, #tpu.memory_space<hbm>>) target_semaphore(%arg9 : memref<!tpu.dma_semaphore, #tpu.memory_space<semaphore_mem>>)
      %add3A_516 = arith.constant 1 : i32
      %add3A_517 = arith.addi %add3A_348, %add3A_516 : i32
      %mul3A_518 = arith.constant 2 : i32
      %mul3A_519 = arith.muli %add3A_517, %mul3A_518 : i32
      %add3A_520 = arith.constant 0 : i32
      %add3A_521 = arith.addi %mul3A_519, %add3A_520 : i32
      %mul3A_522 = arith.constant 128 : i32
      %mul3A_523 = arith.muli %add3A_521, %mul3A_522 : i32
      %dma_start3A_524 = arith.constant 0 : i32
      %dma_start3A_525 = arith.constant 0 : i32
      %dma_start3A_526 = arith.constant 0 : i32
      %dma_start3A_527 = arith.constant 0 : i32
      %dma_start3A_528 = arith.constant 0 : i32
      %dma_start3A_529 = tpu.memref_slice %arg7[%dma_start3A_524, %dma_start3A_526, %dma_start3A_527, %dma_start3A_528] : memref<2x2x128x128xf32, #tpu.memory_space<vmem>> -> memref<1x2x128x128xf32, #tpu.memory_space<vmem>>
      %dma_start3A_530 = tpu.memref_squeeze %dma_start3A_529 : memref<1x2x128x128xf32, #tpu.memory_space<vmem>> -> memref<2x128x128xf32, #tpu.memory_space<vmem>>
      %dma_start3A_531 = arith.constant 0 : i32
      %dma_start3A_532 = arith.constant 0 : i32
      %dma_start3A_533 = tpu.memref_slice %dma_start3A_530[%dma_start3A_525, %dma_start3A_531, %dma_start3A_532] : memref<2x128x128xf32, #tpu.memory_space<vmem>> -> memref<1x128x128xf32, #tpu.memory_space<vmem>>
      %dma_start3A_534 = tpu.memref_squeeze %dma_start3A_533 : memref<1x128x128xf32, #tpu.memory_space<vmem>> -> memref<128x128xf32, #tpu.memory_space<vmem>>
      %dma_start3A_535 = tpu.memref_slice %arg5[%mul3A_523] : memref<25600xi32, #tpu.memory_space<vmem>> -> memref<128xi32, #tpu.memory_space<vmem>>
      %dma_start3A_536 = arith.constant 0 : i32
      %dma_start3A_537 = arith.constant 0 : i32
      %dma_start3A_538 = tpu.memref_slice %arg6[%dma_start3A_536, %dma_start3A_537] : memref<256x128xf32, #tpu.memory_space<vmem_shared>> -> memref<256x128xf32, #tpu.memory_space<vmem_shared>>
      tpu.enqueue_indirect_dma source(%dma_start3A_538 : memref<256x128xf32, #tpu.memory_space<vmem_shared>>) target(%dma_start3A_534 : memref<128x128xf32, #tpu.memory_space<vmem>>) offsets(%dma_start3A_535 : memref<128xi32, #tpu.memory_space<vmem>>) semaphore(%arg8 : memref<!tpu.dma_semaphore, #tpu.memory_space<semaphore_mem>>)
      %mul3A_539 = arith.constant 2 : i32
      %mul3A_540 = arith.muli %add3A_517, %mul3A_539 : i32
      %add3A_541 = arith.constant 1 : i32
      %add3A_542 = arith.addi %mul3A_540, %add3A_541 : i32
      %mul3A_543 = arith.constant 128 : i32
      %mul3A_544 = arith.muli %add3A_542, %mul3A_543 : i32
      %dma_start3A_545 = arith.constant 0 : i32
      %dma_start3A_546 = arith.constant 1 : i32
      %dma_start3A_547 = arith.constant 0 : i32
      %dma_start3A_548 = arith.constant 0 : i32
      %dma_start3A_549 = arith.constant 0 : i32
      %dma_start3A_550 = tpu.memref_slice %arg7[%dma_start3A_545, %dma_start3A_547, %dma_start3A_548, %dma_start3A_549] : memref<2x2x128x128xf32, #tpu.memory_space<vmem>> -> memref<1x2x128x128xf32, #tpu.memory_space<vmem>>
      %dma_start3A_551 = tpu.memref_squeeze %dma_start3A_550 : memref<1x2x128x128xf32, #tpu.memory_space<vmem>> -> memref<2x128x128xf32, #tpu.memory_space<vmem>>
      %dma_start3A_552 = arith.constant 0 : i32
      %dma_start3A_553 = arith.constant 0 : i32
      %dma_start3A_554 = tpu.memref_slice %dma_start3A_551[%dma_start3A_546, %dma_start3A_552, %dma_start3A_553] : memref<2x128x128xf32, #tpu.memory_space<vmem>> -> memref<1x128x128xf32, #tpu.memory_space<vmem>>
      %dma_start3A_555 = tpu.memref_squeeze %dma_start3A_554 : memref<1x128x128xf32, #tpu.memory_space<vmem>> -> memref<128x128xf32, #tpu.memory_space<vmem>>
      %dma_start3A_556 = tpu.memref_slice %arg5[%mul3A_544] : memref<25600xi32, #tpu.memory_space<vmem>> -> memref<128xi32, #tpu.memory_space<vmem>>
      %dma_start3A_557 = arith.constant 0 : i32
      %dma_start3A_558 = arith.constant 0 : i32
      %dma_start3A_559 = tpu.memref_slice %arg6[%dma_start3A_557, %dma_start3A_558] : memref<256x128xf32, #tpu.memory_space<vmem_shared>> -> memref<256x128xf32, #tpu.memory_space<vmem_shared>>
      tpu.enqueue_indirect_dma source(%dma_start3A_559 : memref<256x128xf32, #tpu.memory_space<vmem_shared>>) target(%dma_start3A_555 : memref<128x128xf32, #tpu.memory_space<vmem>>) offsets(%dma_start3A_556 : memref<128xi32, #tpu.memory_space<vmem>>) semaphore(%arg8 : memref<!tpu.dma_semaphore, #tpu.memory_space<semaphore_mem>>)
      %mul3A_560 = arith.constant 2 : i32
      %mul3A_561 = arith.muli %mul3A_560, %scan3A_344 : i32
      %add3A_562 = arith.constant 2 : i32
      %add3A_563 = arith.addi %mul3A_561, %add3A_562 : i32
      %mul3A_564 = arith.constant 2 : i32
      %mul3A_565 = arith.muli %add3A_563, %mul3A_564 : i32
      %add3A_566 = arith.constant 0 : i32
      %add3A_567 = arith.addi %mul3A_565, %add3A_566 : i32
      %mul3A_568 = arith.constant 128 : i32
      %mul3A_569 = arith.muli %add3A_567, %mul3A_568 : i32
      %dma_wait3A_570 = arith.constant 0 : i32
      %dma_wait3A_571 = arith.constant 0 : i32
      %dma_wait3A_572 = arith.constant 0 : i32
      %dma_wait3A_573 = arith.constant 0 : i32
      %dma_wait3A_574 = arith.constant 0 : i32
      %dma_wait3A_575 = tpu.memref_slice %arg7[%dma_wait3A_570, %dma_wait3A_572, %dma_wait3A_573, %dma_wait3A_574] : memref<2x2x128x128xf32, #tpu.memory_space<vmem>> -> memref<1x2x128x128xf32, #tpu.memory_space<vmem>>
      %dma_wait3A_576 = tpu.memref_squeeze %dma_wait3A_575 : memref<1x2x128x128xf32, #tpu.memory_space<vmem>> -> memref<2x128x128xf32, #tpu.memory_space<vmem>>
      %dma_wait3A_577 = arith.constant 0 : i32
      %dma_wait3A_578 = arith.constant 0 : i32
      %dma_wait3A_579 = tpu.memref_slice %dma_wait3A_576[%dma_wait3A_571, %dma_wait3A_577, %dma_wait3A_578] : memref<2x128x128xf32, #tpu.memory_space<vmem>> -> memref<1x128x128xf32, #tpu.memory_space<vmem>>
      %dma_wait3A_580 = tpu.memref_squeeze %dma_wait3A_579 : memref<1x128x128xf32, #tpu.memory_space<vmem>> -> memref<128x128xf32, #tpu.memory_space<vmem>>
      %dma_wait3A_581 = tpu.memref_slice %arg5[%mul3A_569] : memref<25600xi32, #tpu.memory_space<vmem>> -> memref<128xi32, #tpu.memory_space<vmem>>
      %dma_wait3A_582 = arith.constant 0 : i32
      %dma_wait3A_583 = arith.constant 0 : i32
      %dma_wait3A_584 = tpu.memref_slice %arg6[%dma_wait3A_582, %dma_wait3A_583] : memref<256x128xf32, #tpu.memory_space<vmem_shared>> -> memref<256x128xf32, #tpu.memory_space<vmem_shared>>
      tpu.wait_indirect_dma semaphore(%arg8 : memref<!tpu.dma_semaphore, #tpu.memory_space<semaphore_mem>>) src(%dma_wait3A_584 : memref<256x128xf32, #tpu.memory_space<vmem_shared>>) dst(%dma_wait3A_580 : memref<128x128xf32, #tpu.memory_space<vmem>>)
      %mul3A_585 = arith.constant 2 : i32
      %mul3A_586 = arith.muli %add3A_563, %mul3A_585 : i32
      %add3A_587 = arith.constant 1 : i32
      %add3A_588 = arith.addi %mul3A_586, %add3A_587 : i32
      %mul3A_589 = arith.constant 128 : i32
      %mul3A_590 = arith.muli %add3A_588, %mul3A_589 : i32
      %dma_wait3A_591 = arith.constant 0 : i32
      %dma_wait3A_592 = arith.constant 1 : i32
      %dma_wait3A_593 = arith.constant 0 : i32
      %dma_wait3A_594 = arith.constant 0 : i32
      %dma_wait3A_595 = arith.constant 0 : i32
      %dma_wait3A_596 = tpu.memref_slice %arg7[%dma_wait3A_591, %dma_wait3A_593, %dma_wait3A_594, %dma_wait3A_595] : memref<2x2x128x128xf32, #tpu.memory_space<vmem>> -> memref<1x2x128x128xf32, #tpu.memory_space<vmem>>
      %dma_wait3A_597 = tpu.memref_squeeze %dma_wait3A_596 : memref<1x2x128x128xf32, #tpu.memory_space<vmem>> -> memref<2x128x128xf32, #tpu.memory_space<vmem>>
      %dma_wait3A_598 = arith.constant 0 : i32
      %dma_wait3A_599 = arith.constant 0 : i32
      %dma_wait3A_600 = tpu.memref_slice %dma_wait3A_597[%dma_wait3A_592, %dma_wait3A_598, %dma_wait3A_599] : memref<2x128x128xf32, #tpu.memory_space<vmem>> -> memref<1x128x128xf32, #tpu.memory_space<vmem>>
      %dma_wait3A_601 = tpu.memref_squeeze %dma_wait3A_600 : memref<1x128x128xf32, #tpu.memory_space<vmem>> -> memref<128x128xf32, #tpu.memory_space<vmem>>
      %dma_wait3A_602 = tpu.memref_slice %arg5[%mul3A_590] : memref<25600xi32, #tpu.memory_space<vmem>> -> memref<128xi32, #tpu.memory_space<vmem>>
      %dma_wait3A_603 = arith.constant 0 : i32
      %dma_wait3A_604 = arith.constant 0 : i32
      %dma_wait3A_605 = tpu.memref_slice %arg6[%dma_wait3A_603, %dma_wait3A_604] : memref<256x128xf32, #tpu.memory_space<vmem_shared>> -> memref<256x128xf32, #tpu.memory_space<vmem_shared>>
      tpu.wait_indirect_dma semaphore(%arg8 : memref<!tpu.dma_semaphore, #tpu.memory_space<semaphore_mem>>) src(%dma_wait3A_605 : memref<256x128xf32, #tpu.memory_space<vmem_shared>>) dst(%dma_wait3A_601 : memref<128x128xf32, #tpu.memory_space<vmem>>)
      %sub3A_606 = arith.constant 1 : i32
      %sub3A_607 = arith.subi %add3A_563, %sub3A_606 : i32
      %mul3A_608 = arith.constant 2 : i32
      %mul3A_609 = arith.muli %sub3A_607, %mul3A_608 : i32
      %add3A_610 = arith.constant 0 : i32
      %add3A_611 = arith.addi %mul3A_609, %add3A_610 : i32
      %mul3A_612 = arith.constant 128 : i32
      %mul3A_613 = arith.muli %add3A_611, %mul3A_612 : i32
      %add3A_614 = arith.addi %mul3A_2, %mul3A_613 : i32
      %dma_wait3A_615 = arith.constant 1 : i32
      %dma_wait3A_616 = arith.constant 0 : i32
      %dma_wait3A_617 = arith.constant 0 : i32
      %dma_wait3A_618 = arith.constant 0 : i32
      %dma_wait3A_619 = arith.constant 0 : i32
      %dma_wait3A_620 = tpu.memref_slice %arg7[%dma_wait3A_615, %dma_wait3A_617, %dma_wait3A_618, %dma_wait3A_619] : memref<2x2x128x128xf32, #tpu.memory_space<vmem>> -> memref<1x2x128x128xf32, #tpu.memory_space<vmem>>
      %dma_wait3A_621 = tpu.memref_squeeze %dma_wait3A_620 : memref<1x2x128x128xf32, #tpu.memory_space<vmem>> -> memref<2x128x128xf32, #tpu.memory_space<vmem>>
      %dma_wait3A_622 = arith.constant 0 : i32
      %dma_wait3A_623 = arith.constant 0 : i32
      %dma_wait3A_624 = tpu.memref_slice %dma_wait3A_621[%dma_wait3A_616, %dma_wait3A_622, %dma_wait3A_623] : memref<2x128x128xf32, #tpu.memory_space<vmem>> -> memref<1x128x128xf32, #tpu.memory_space<vmem>>
      %dma_wait3A_625 = tpu.memref_squeeze %dma_wait3A_624 : memref<1x128x128xf32, #tpu.memory_space<vmem>> -> memref<128x128xf32, #tpu.memory_space<vmem>>
      %dma_wait3A_626 = arith.constant 0 : i32
      %dma_wait3A_627 = tpu.memref_slice %arg4[%add3A_614, %dma_wait3A_626] : memref<819200x128xf32, #tpu.memory_space<hbm>> -> memref<128x128xf32, #tpu.memory_space<hbm>>
      %dma_wait3A_628 = arith.constant 0 : i32
      %dma_wait3A_629 = tpu.memref_slice %arg4[%add3A_614, %dma_wait3A_628] : memref<819200x128xf32, #tpu.memory_space<hbm>> -> memref<128x128xf32, #tpu.memory_space<hbm>>
      %dma_wait3A_630 = arith.constant 0 : i32
      %dma_wait3A_631 = arith.constant 0 : i32
      %dma_wait3A_632 = arith.constant 0 : i32
      %dma_wait3A_633 = tpu.memref_slice %arg7[%dma_wait3A_615, %dma_wait3A_630, %dma_wait3A_631, %dma_wait3A_632] : memref<2x2x128x128xf32, #tpu.memory_space<vmem>> -> memref<1x2x128x128xf32, #tpu.memory_space<vmem>>
      %dma_wait3A_634 = tpu.memref_squeeze %dma_wait3A_633 : memref<1x2x128x128xf32, #tpu.memory_space<vmem>> -> memref<2x128x128xf32, #tpu.memory_space<vmem>>
      %dma_wait3A_635 = arith.constant 0 : i32
      %dma_wait3A_636 = arith.constant 0 : i32
      %dma_wait3A_637 = tpu.memref_slice %dma_wait3A_634[%dma_wait3A_616, %dma_wait3A_635, %dma_wait3A_636] : memref<2x128x128xf32, #tpu.memory_space<vmem>> -> memref<1x128x128xf32, #tpu.memory_space<vmem>>
      %dma_wait3A_638 = tpu.memref_squeeze %dma_wait3A_637 : memref<1x128x128xf32, #tpu.memory_space<vmem>> -> memref<128x128xf32, #tpu.memory_space<vmem>>
      tpu.wait_dma2 semaphore(%arg9 : memref<!tpu.dma_semaphore, #tpu.memory_space<semaphore_mem>>) src(%dma_wait3A_638 : memref<128x128xf32, #tpu.memory_space<vmem>>) dst(%dma_wait3A_629 : memref<128x128xf32, #tpu.memory_space<hbm>>)
      %mul3A_639 = arith.constant 2 : i32
      %mul3A_640 = arith.muli %sub3A_607, %mul3A_639 : i32
      %add3A_641 = arith.constant 1 : i32
      %add3A_642 = arith.addi %mul3A_640, %add3A_641 : i32
      %mul3A_643 = arith.constant 128 : i32
      %mul3A_644 = arith.muli %add3A_642, %mul3A_643 : i32
      %add3A_645 = arith.addi %mul3A_2, %mul3A_644 : i32
      %dma_wait3A_646 = arith.constant 1 : i32
      %dma_wait3A_647 = arith.constant 1 : i32
      %dma_wait3A_648 = arith.constant 0 : i32
      %dma_wait3A_649 = arith.constant 0 : i32
      %dma_wait3A_650 = arith.constant 0 : i32
      %dma_wait3A_651 = tpu.memref_slice %arg7[%dma_wait3A_646, %dma_wait3A_648, %dma_wait3A_649, %dma_wait3A_650] : memref<2x2x128x128xf32, #tpu.memory_space<vmem>> -> memref<1x2x128x128xf32, #tpu.memory_space<vmem>>
      %dma_wait3A_652 = tpu.memref_squeeze %dma_wait3A_651 : memref<1x2x128x128xf32, #tpu.memory_space<vmem>> -> memref<2x128x128xf32, #tpu.memory_space<vmem>>
      %dma_wait3A_653 = arith.constant 0 : i32
      %dma_wait3A_654 = arith.constant 0 : i32
      %dma_wait3A_655 = tpu.memref_slice %dma_wait3A_652[%dma_wait3A_647, %dma_wait3A_653, %dma_wait3A_654] : memref<2x128x128xf32, #tpu.memory_space<vmem>> -> memref<1x128x128xf32, #tpu.memory_space<vmem>>
      %dma_wait3A_656 = tpu.memref_squeeze %dma_wait3A_655 : memref<1x128x128xf32, #tpu.memory_space<vmem>> -> memref<128x128xf32, #tpu.memory_space<vmem>>
      %dma_wait3A_657 = arith.constant 0 : i32
      %dma_wait3A_658 = tpu.memref_slice %arg4[%add3A_645, %dma_wait3A_657] : memref<819200x128xf32, #tpu.memory_space<hbm>> -> memref<128x128xf32, #tpu.memory_space<hbm>>
      %dma_wait3A_659 = arith.constant 0 : i32
      %dma_wait3A_660 = tpu.memref_slice %arg4[%add3A_645, %dma_wait3A_659] : memref<819200x128xf32, #tpu.memory_space<hbm>> -> memref<128x128xf32, #tpu.memory_space<hbm>>
      %dma_wait3A_661 = arith.constant 0 : i32
      %dma_wait3A_662 = arith.constant 0 : i32
      %dma_wait3A_663 = arith.constant 0 : i32
      %dma_wait3A_664 = tpu.memref_slice %arg7[%dma_wait3A_646, %dma_wait3A_661, %dma_wait3A_662, %dma_wait3A_663] : memref<2x2x128x128xf32, #tpu.memory_space<vmem>> -> memref<1x2x128x128xf32, #tpu.memory_space<vmem>>
      %dma_wait3A_665 = tpu.memref_squeeze %dma_wait3A_664 : memref<1x2x128x128xf32, #tpu.memory_space<vmem>> -> memref<2x128x128xf32, #tpu.memory_space<vmem>>
      %dma_wait3A_666 = arith.constant 0 : i32
      %dma_wait3A_667 = arith.constant 0 : i32
      %dma_wait3A_668 = tpu.memref_slice %dma_wait3A_665[%dma_wait3A_647, %dma_wait3A_666, %dma_wait3A_667] : memref<2x128x128xf32, #tpu.memory_space<vmem>> -> memref<1x128x128xf32, #tpu.memory_space<vmem>>
      %dma_wait3A_669 = tpu.memref_squeeze %dma_wait3A_668 : memref<1x128x128xf32, #tpu.memory_space<vmem>> -> memref<128x128xf32, #tpu.memory_space<vmem>>
      tpu.wait_dma2 semaphore(%arg9 : memref<!tpu.dma_semaphore, #tpu.memory_space<semaphore_mem>>) src(%dma_wait3A_669 : memref<128x128xf32, #tpu.memory_space<vmem>>) dst(%dma_wait3A_660 : memref<128x128xf32, #tpu.memory_space<hbm>>)
      %mul3A_670 = arith.constant 2 : i32
      %mul3A_671 = arith.muli %add3A_563, %mul3A_670 : i32
      %add3A_672 = arith.constant 0 : i32
      %add3A_673 = arith.addi %mul3A_671, %add3A_672 : i32
      %mul3A_674 = arith.constant 128 : i32
      %mul3A_675 = arith.muli %add3A_673, %mul3A_674 : i32
      %add3A_676 = arith.addi %mul3A_2, %mul3A_675 : i32
      %dma_start3A_677 = arith.constant 0 : i32
      %dma_start3A_678 = arith.constant 0 : i32
      %dma_start3A_679 = arith.constant 0 : i32
      %dma_start3A_680 = arith.constant 0 : i32
      %dma_start3A_681 = arith.constant 0 : i32
      %dma_start3A_682 = tpu.memref_slice %arg7[%dma_start3A_677, %dma_start3A_679, %dma_start3A_680, %dma_start3A_681] : memref<2x2x128x128xf32, #tpu.memory_space<vmem>> -> memref<1x2x128x128xf32, #tpu.memory_space<vmem>>
      %dma_start3A_683 = tpu.memref_squeeze %dma_start3A_682 : memref<1x2x128x128xf32, #tpu.memory_space<vmem>> -> memref<2x128x128xf32, #tpu.memory_space<vmem>>
      %dma_start3A_684 = arith.constant 0 : i32
      %dma_start3A_685 = arith.constant 0 : i32
      %dma_start3A_686 = tpu.memref_slice %dma_start3A_683[%dma_start3A_678, %dma_start3A_684, %dma_start3A_685] : memref<2x128x128xf32, #tpu.memory_space<vmem>> -> memref<1x128x128xf32, #tpu.memory_space<vmem>>
      %dma_start3A_687 = tpu.memref_squeeze %dma_start3A_686 : memref<1x128x128xf32, #tpu.memory_space<vmem>> -> memref<128x128xf32, #tpu.memory_space<vmem>>
      %dma_start3A_688 = arith.constant 0 : i32
      %dma_start3A_689 = tpu.memref_slice %arg4[%add3A_676, %dma_start3A_688] : memref<819200x128xf32, #tpu.memory_space<hbm>> -> memref<128x128xf32, #tpu.memory_space<hbm>>
      %dma_start3A_690 = arith.constant 0 : i32
      %dma_start3A_691 = tpu.memref_slice %arg4[%add3A_676, %dma_start3A_690] : memref<819200x128xf32, #tpu.memory_space<hbm>> -> memref<128x128xf32, #tpu.memory_space<hbm>>
      %dma_start3A_692 = arith.constant 0 : i32
      %dma_start3A_693 = arith.constant 0 : i32
      %dma_start3A_694 = arith.constant 0 : i32
      %dma_start3A_695 = tpu.memref_slice %arg7[%dma_start3A_677, %dma_start3A_692, %dma_start3A_693, %dma_start3A_694] : memref<2x2x128x128xf32, #tpu.memory_space<vmem>> -> memref<1x2x128x128xf32, #tpu.memory_space<vmem>>
      %dma_start3A_696 = tpu.memref_squeeze %dma_start3A_695 : memref<1x2x128x128xf32, #tpu.memory_space<vmem>> -> memref<2x128x128xf32, #tpu.memory_space<vmem>>
      %dma_start3A_697 = arith.constant 0 : i32
      %dma_start3A_698 = arith.constant 0 : i32
      %dma_start3A_699 = tpu.memref_slice %dma_start3A_696[%dma_start3A_678, %dma_start3A_697, %dma_start3A_698] : memref<2x128x128xf32, #tpu.memory_space<vmem>> -> memref<1x128x128xf32, #tpu.memory_space<vmem>>
      %dma_start3A_700 = tpu.memref_squeeze %dma_start3A_699 : memref<1x128x128xf32, #tpu.memory_space<vmem>> -> memref<128x128xf32, #tpu.memory_space<vmem>>
      tpu.enqueue_dma source(%dma_start3A_700 : memref<128x128xf32, #tpu.memory_space<vmem>>) target(%dma_start3A_691 : memref<128x128xf32, #tpu.memory_space<hbm>>) target_semaphore(%arg9 : memref<!tpu.dma_semaphore, #tpu.memory_space<semaphore_mem>>)
      %mul3A_701 = arith.constant 2 : i32
      %mul3A_702 = arith.muli %add3A_563, %mul3A_701 : i32
      %add3A_703 = arith.constant 1 : i32
      %add3A_704 = arith.addi %mul3A_702, %add3A_703 : i32
      %mul3A_705 = arith.constant 128 : i32
      %mul3A_706 = arith.muli %add3A_704, %mul3A_705 : i32
      %add3A_707 = arith.addi %mul3A_2, %mul3A_706 : i32
      %dma_start3A_708 = arith.constant 0 : i32
      %dma_start3A_709 = arith.constant 1 : i32
      %dma_start3A_710 = arith.constant 0 : i32
      %dma_start3A_711 = arith.constant 0 : i32
      %dma_start3A_712 = arith.constant 0 : i32
      %dma_start3A_713 = tpu.memref_slice %arg7[%dma_start3A_708, %dma_start3A_710, %dma_start3A_711, %dma_start3A_712] : memref<2x2x128x128xf32, #tpu.memory_space<vmem>> -> memref<1x2x128x128xf32, #tpu.memory_space<vmem>>
      %dma_start3A_714 = tpu.memref_squeeze %dma_start3A_713 : memref<1x2x128x128xf32, #tpu.memory_space<vmem>> -> memref<2x128x128xf32, #tpu.memory_space<vmem>>
      %dma_start3A_715 = arith.constant 0 : i32
      %dma_start3A_716 = arith.constant 0 : i32
      %dma_start3A_717 = tpu.memref_slice %dma_start3A_714[%dma_start3A_709, %dma_start3A_715, %dma_start3A_716] : memref<2x128x128xf32, #tpu.memory_space<vmem>> -> memref<1x128x128xf32, #tpu.memory_space<vmem>>
      %dma_start3A_718 = tpu.memref_squeeze %dma_start3A_717 : memref<1x128x128xf32, #tpu.memory_space<vmem>> -> memref<128x128xf32, #tpu.memory_space<vmem>>
      %dma_start3A_719 = arith.constant 0 : i32
      %dma_start3A_720 = tpu.memref_slice %arg4[%add3A_707, %dma_start3A_719] : memref<819200x128xf32, #tpu.memory_space<hbm>> -> memref<128x128xf32, #tpu.memory_space<hbm>>
      %dma_start3A_721 = arith.constant 0 : i32
      %dma_start3A_722 = tpu.memref_slice %arg4[%add3A_707, %dma_start3A_721] : memref<819200x128xf32, #tpu.memory_space<hbm>> -> memref<128x128xf32, #tpu.memory_space<hbm>>
      %dma_start3A_723 = arith.constant 0 : i32
      %dma_start3A_724 = arith.constant 0 : i32
      %dma_start3A_725 = arith.constant 0 : i32
      %dma_start3A_726 = tpu.memref_slice %arg7[%dma_start3A_708, %dma_start3A_723, %dma_start3A_724, %dma_start3A_725] : memref<2x2x128x128xf32, #tpu.memory_space<vmem>> -> memref<1x2x128x128xf32, #tpu.memory_space<vmem>>
      %dma_start3A_727 = tpu.memref_squeeze %dma_start3A_726 : memref<1x2x128x128xf32, #tpu.memory_space<vmem>> -> memref<2x128x128xf32, #tpu.memory_space<vmem>>
      %dma_start3A_728 = arith.constant 0 : i32
      %dma_start3A_729 = arith.constant 0 : i32
      %dma_start3A_730 = tpu.memref_slice %dma_start3A_727[%dma_start3A_709, %dma_start3A_728, %dma_start3A_729] : memref<2x128x128xf32, #tpu.memory_space<vmem>> -> memref<1x128x128xf32, #tpu.memory_space<vmem>>
      %dma_start3A_731 = tpu.memref_squeeze %dma_start3A_730 : memref<1x128x128xf32, #tpu.memory_space<vmem>> -> memref<128x128xf32, #tpu.memory_space<vmem>>
      tpu.enqueue_dma source(%dma_start3A_731 : memref<128x128xf32, #tpu.memory_space<vmem>>) target(%dma_start3A_722 : memref<128x128xf32, #tpu.memory_space<hbm>>) target_semaphore(%arg9 : memref<!tpu.dma_semaphore, #tpu.memory_space<semaphore_mem>>)
      %add3A_732 = arith.constant 1 : i32
      %add3A_733 = arith.addi %add3A_563, %add3A_732 : i32
      %mul3A_734 = arith.constant 2 : i32
      %mul3A_735 = arith.muli %add3A_733, %mul3A_734 : i32
      %add3A_736 = arith.constant 0 : i32
      %add3A_737 = arith.addi %mul3A_735, %add3A_736 : i32
      %mul3A_738 = arith.constant 128 : i32
      %mul3A_739 = arith.muli %add3A_737, %mul3A_738 : i32
      %dma_start3A_740 = arith.constant 1 : i32
      %dma_start3A_741 = arith.constant 0 : i32
      %dma_start3A_742 = arith.constant 0 : i32
      %dma_start3A_743 = arith.constant 0 : i32
      %dma_start3A_744 = arith.constant 0 : i32
      %dma_start3A_745 = tpu.memref_slice %arg7[%dma_start3A_740, %dma_start3A_742, %dma_start3A_743, %dma_start3A_744] : memref<2x2x128x128xf32, #tpu.memory_space<vmem>> -> memref<1x2x128x128xf32, #tpu.memory_space<vmem>>
      %dma_start3A_746 = tpu.memref_squeeze %dma_start3A_745 : memref<1x2x128x128xf32, #tpu.memory_space<vmem>> -> memref<2x128x128xf32, #tpu.memory_space<vmem>>
      %dma_start3A_747 = arith.constant 0 : i32
      %dma_start3A_748 = arith.constant 0 : i32
      %dma_start3A_749 = tpu.memref_slice %dma_start3A_746[%dma_start3A_741, %dma_start3A_747, %dma_start3A_748] : memref<2x128x128xf32, #tpu.memory_space<vmem>> -> memref<1x128x128xf32, #tpu.memory_space<vmem>>
      %dma_start3A_750 = tpu.memref_squeeze %dma_start3A_749 : memref<1x128x128xf32, #tpu.memory_space<vmem>> -> memref<128x128xf32, #tpu.memory_space<vmem>>
      %dma_start3A_751 = tpu.memref_slice %arg5[%mul3A_739] : memref<25600xi32, #tpu.memory_space<vmem>> -> memref<128xi32, #tpu.memory_space<vmem>>
      %dma_start3A_752 = arith.constant 0 : i32
      %dma_start3A_753 = arith.constant 0 : i32
      %dma_start3A_754 = tpu.memref_slice %arg6[%dma_start3A_752, %dma_start3A_753] : memref<256x128xf32, #tpu.memory_space<vmem_shared>> -> memref<256x128xf32, #tpu.memory_space<vmem_shared>>
      tpu.enqueue_indirect_dma source(%dma_start3A_754 : memref<256x128xf32, #tpu.memory_space<vmem_shared>>) target(%dma_start3A_750 : memref<128x128xf32, #tpu.memory_space<vmem>>) offsets(%dma_start3A_751 : memref<128xi32, #tpu.memory_space<vmem>>) semaphore(%arg8 : memref<!tpu.dma_semaphore, #tpu.memory_space<semaphore_mem>>)
      %mul3A_755 = arith.constant 2 : i32
      %mul3A_756 = arith.muli %add3A_733, %mul3A_755 : i32
      %add3A_757 = arith.constant 1 : i32
      %add3A_758 = arith.addi %mul3A_756, %add3A_757 : i32
      %mul3A_759 = arith.constant 128 : i32
      %mul3A_760 = arith.muli %add3A_758, %mul3A_759 : i32
      %dma_start3A_761 = arith.constant 1 : i32
      %dma_start3A_762 = arith.constant 1 : i32
      %dma_start3A_763 = arith.constant 0 : i32
      %dma_start3A_764 = arith.constant 0 : i32
      %dma_start3A_765 = arith.constant 0 : i32
      %dma_start3A_766 = tpu.memref_slice %arg7[%dma_start3A_761, %dma_start3A_763, %dma_start3A_764, %dma_start3A_765] : memref<2x2x128x128xf32, #tpu.memory_space<vmem>> -> memref<1x2x128x128xf32, #tpu.memory_space<vmem>>
      %dma_start3A_767 = tpu.memref_squeeze %dma_start3A_766 : memref<1x2x128x128xf32, #tpu.memory_space<vmem>> -> memref<2x128x128xf32, #tpu.memory_space<vmem>>
      %dma_start3A_768 = arith.constant 0 : i32
      %dma_start3A_769 = arith.constant 0 : i32
      %dma_start3A_770 = tpu.memref_slice %dma_start3A_767[%dma_start3A_762, %dma_start3A_768, %dma_start3A_769] : memref<2x128x128xf32, #tpu.memory_space<vmem>> -> memref<1x128x128xf32, #tpu.memory_space<vmem>>
      %dma_start3A_771 = tpu.memref_squeeze %dma_start3A_770 : memref<1x128x128xf32, #tpu.memory_space<vmem>> -> memref<128x128xf32, #tpu.memory_space<vmem>>
      %dma_start3A_772 = tpu.memref_slice %arg5[%mul3A_760] : memref<25600xi32, #tpu.memory_space<vmem>> -> memref<128xi32, #tpu.memory_space<vmem>>
      %dma_start3A_773 = arith.constant 0 : i32
      %dma_start3A_774 = arith.constant 0 : i32
      %dma_start3A_775 = tpu.memref_slice %arg6[%dma_start3A_773, %dma_start3A_774] : memref<256x128xf32, #tpu.memory_space<vmem_shared>> -> memref<256x128xf32, #tpu.memory_space<vmem_shared>>
      tpu.enqueue_indirect_dma source(%dma_start3A_775 : memref<256x128xf32, #tpu.memory_space<vmem_shared>>) target(%dma_start3A_771 : memref<128x128xf32, #tpu.memory_space<vmem>>) offsets(%dma_start3A_772 : memref<128xi32, #tpu.memory_space<vmem>>) semaphore(%arg8 : memref<!tpu.dma_semaphore, #tpu.memory_space<semaphore_mem>>)
    }
    %scan3A_155 = arith.constant 49 : i32
    %dma_wait3A_156 = arith.constant 1 : i32
    %dma_wait3A_157 = arith.constant 0 : i32
    %dma_wait3A_158 = arith.constant 0 : i32
    %dma_wait3A_159 = arith.constant 0 : i32
    %dma_wait3A_160 = arith.constant 0 : i32
    %dma_wait3A_161 = tpu.memref_slice %arg7[%dma_wait3A_156, %dma_wait3A_158, %dma_wait3A_159, %dma_wait3A_160] : memref<2x2x128x128xf32, #tpu.memory_space<vmem>> -> memref<1x2x128x128xf32, #tpu.memory_space<vmem>>
    %dma_wait3A_162 = tpu.memref_squeeze %dma_wait3A_161 : memref<1x2x128x128xf32, #tpu.memory_space<vmem>> -> memref<2x128x128xf32, #tpu.memory_space<vmem>>
    %dma_wait3A_163 = arith.constant 0 : i32
    %dma_wait3A_164 = arith.constant 0 : i32
    %dma_wait3A_165 = tpu.memref_slice %dma_wait3A_162[%dma_wait3A_157, %dma_wait3A_163, %dma_wait3A_164] : memref<2x128x128xf32, #tpu.memory_space<vmem>> -> memref<1x128x128xf32, #tpu.memory_space<vmem>>
    %dma_wait3A_166 = tpu.memref_squeeze %dma_wait3A_165 : memref<1x128x128xf32, #tpu.memory_space<vmem>> -> memref<128x128xf32, #tpu.memory_space<vmem>>
    %dma_wait3A_167 = arith.constant 25344 : i32
    %dma_wait3A_168 = tpu.memref_slice %arg5[%dma_wait3A_167] : memref<25600xi32, #tpu.memory_space<vmem>> -> memref<128xi32, #tpu.memory_space<vmem>>
    %dma_wait3A_169 = arith.constant 0 : i32
    %dma_wait3A_170 = arith.constant 0 : i32
    %dma_wait3A_171 = tpu.memref_slice %arg6[%dma_wait3A_169, %dma_wait3A_170] : memref<256x128xf32, #tpu.memory_space<vmem_shared>> -> memref<256x128xf32, #tpu.memory_space<vmem_shared>>
    tpu.wait_indirect_dma semaphore(%arg8 : memref<!tpu.dma_semaphore, #tpu.memory_space<semaphore_mem>>) src(%dma_wait3A_171 : memref<256x128xf32, #tpu.memory_space<vmem_shared>>) dst(%dma_wait3A_166 : memref<128x128xf32, #tpu.memory_space<vmem>>)
    %dma_wait3A_172 = arith.constant 1 : i32
    %dma_wait3A_173 = arith.constant 1 : i32
    %dma_wait3A_174 = arith.constant 0 : i32
    %dma_wait3A_175 = arith.constant 0 : i32
    %dma_wait3A_176 = arith.constant 0 : i32
    %dma_wait3A_177 = tpu.memref_slice %arg7[%dma_wait3A_172, %dma_wait3A_174, %dma_wait3A_175, %dma_wait3A_176] : memref<2x2x128x128xf32, #tpu.memory_space<vmem>> -> memref<1x2x128x128xf32, #tpu.memory_space<vmem>>
    %dma_wait3A_178 = tpu.memref_squeeze %dma_wait3A_177 : memref<1x2x128x128xf32, #tpu.memory_space<vmem>> -> memref<2x128x128xf32, #tpu.memory_space<vmem>>
    %dma_wait3A_179 = arith.constant 0 : i32
    %dma_wait3A_180 = arith.constant 0 : i32
    %dma_wait3A_181 = tpu.memref_slice %dma_wait3A_178[%dma_wait3A_173, %dma_wait3A_179, %dma_wait3A_180] : memref<2x128x128xf32, #tpu.memory_space<vmem>> -> memref<1x128x128xf32, #tpu.memory_space<vmem>>
    %dma_wait3A_182 = tpu.memref_squeeze %dma_wait3A_181 : memref<1x128x128xf32, #tpu.memory_space<vmem>> -> memref<128x128xf32, #tpu.memory_space<vmem>>
    %dma_wait3A_183 = arith.constant 25472 : i32
    %dma_wait3A_184 = tpu.memref_slice %arg5[%dma_wait3A_183] : memref<25600xi32, #tpu.memory_space<vmem>> -> memref<128xi32, #tpu.memory_space<vmem>>
    %dma_wait3A_185 = arith.constant 0 : i32
    %dma_wait3A_186 = arith.constant 0 : i32
    %dma_wait3A_187 = tpu.memref_slice %arg6[%dma_wait3A_185, %dma_wait3A_186] : memref<256x128xf32, #tpu.memory_space<vmem_shared>> -> memref<256x128xf32, #tpu.memory_space<vmem_shared>>
    tpu.wait_indirect_dma semaphore(%arg8 : memref<!tpu.dma_semaphore, #tpu.memory_space<semaphore_mem>>) src(%dma_wait3A_187 : memref<256x128xf32, #tpu.memory_space<vmem_shared>>) dst(%dma_wait3A_182 : memref<128x128xf32, #tpu.memory_space<vmem>>)
    %add3A_188 = arith.constant 25088 : i32
    %add3A_189 = arith.addi %mul3A_2, %add3A_188 : i32
    %dma_wait3A_190 = arith.constant 0 : i32
    %dma_wait3A_191 = arith.constant 0 : i32
    %dma_wait3A_192 = arith.constant 0 : i32
    %dma_wait3A_193 = arith.constant 0 : i32
    %dma_wait3A_194 = arith.constant 0 : i32
    %dma_wait3A_195 = tpu.memref_slice %arg7[%dma_wait3A_190, %dma_wait3A_192, %dma_wait3A_193, %dma_wait3A_194] : memref<2x2x128x128xf32, #tpu.memory_space<vmem>> -> memref<1x2x128x128xf32, #tpu.memory_space<vmem>>
    %dma_wait3A_196 = tpu.memref_squeeze %dma_wait3A_195 : memref<1x2x128x128xf32, #tpu.memory_space<vmem>> -> memref<2x128x128xf32, #tpu.memory_space<vmem>>
    %dma_wait3A_197 = arith.constant 0 : i32
    %dma_wait3A_198 = arith.constant 0 : i32
    %dma_wait3A_199 = tpu.memref_slice %dma_wait3A_196[%dma_wait3A_191, %dma_wait3A_197, %dma_wait3A_198] : memref<2x128x128xf32, #tpu.memory_space<vmem>> -> memref<1x128x128xf32, #tpu.memory_space<vmem>>
    %dma_wait3A_200 = tpu.memref_squeeze %dma_wait3A_199 : memref<1x128x128xf32, #tpu.memory_space<vmem>> -> memref<128x128xf32, #tpu.memory_space<vmem>>
    %dma_wait3A_201 = arith.constant 0 : i32
    %dma_wait3A_202 = tpu.memref_slice %arg4[%add3A_189, %dma_wait3A_201] : memref<819200x128xf32, #tpu.memory_space<hbm>> -> memref<128x128xf32, #tpu.memory_space<hbm>>
    %dma_wait3A_203 = arith.constant 0 : i32
    %dma_wait3A_204 = tpu.memref_slice %arg4[%add3A_189, %dma_wait3A_203] : memref<819200x128xf32, #tpu.memory_space<hbm>> -> memref<128x128xf32, #tpu.memory_space<hbm>>
    %dma_wait3A_205 = arith.constant 0 : i32
    %dma_wait3A_206 = arith.constant 0 : i32
    %dma_wait3A_207 = arith.constant 0 : i32
    %dma_wait3A_208 = tpu.memref_slice %arg7[%dma_wait3A_190, %dma_wait3A_205, %dma_wait3A_206, %dma_wait3A_207] : memref<2x2x128x128xf32, #tpu.memory_space<vmem>> -> memref<1x2x128x128xf32, #tpu.memory_space<vmem>>
    %dma_wait3A_209 = tpu.memref_squeeze %dma_wait3A_208 : memref<1x2x128x128xf32, #tpu.memory_space<vmem>> -> memref<2x128x128xf32, #tpu.memory_space<vmem>>
    %dma_wait3A_210 = arith.constant 0 : i32
    %dma_wait3A_211 = arith.constant 0 : i32
    %dma_wait3A_212 = tpu.memref_slice %dma_wait3A_209[%dma_wait3A_191, %dma_wait3A_210, %dma_wait3A_211] : memref<2x128x128xf32, #tpu.memory_space<vmem>> -> memref<1x128x128xf32, #tpu.memory_space<vmem>>
    %dma_wait3A_213 = tpu.memref_squeeze %dma_wait3A_212 : memref<1x128x128xf32, #tpu.memory_space<vmem>> -> memref<128x128xf32, #tpu.memory_space<vmem>>
    tpu.wait_dma2 semaphore(%arg9 : memref<!tpu.dma_semaphore, #tpu.memory_space<semaphore_mem>>) src(%dma_wait3A_213 : memref<128x128xf32, #tpu.memory_space<vmem>>) dst(%dma_wait3A_204 : memref<128x128xf32, #tpu.memory_space<hbm>>)
    %add3A_214 = arith.constant 25216 : i32
    %add3A_215 = arith.addi %mul3A_2, %add3A_214 : i32
    %dma_wait3A_216 = arith.constant 0 : i32
    %dma_wait3A_217 = arith.constant 1 : i32
    %dma_wait3A_218 = arith.constant 0 : i32
    %dma_wait3A_219 = arith.constant 0 : i32
    %dma_wait3A_220 = arith.constant 0 : i32
    %dma_wait3A_221 = tpu.memref_slice %arg7[%dma_wait3A_216, %dma_wait3A_218, %dma_wait3A_219, %dma_wait3A_220] : memref<2x2x128x128xf32, #tpu.memory_space<vmem>> -> memref<1x2x128x128xf32, #tpu.memory_space<vmem>>
    %dma_wait3A_222 = tpu.memref_squeeze %dma_wait3A_221 : memref<1x2x128x128xf32, #tpu.memory_space<vmem>> -> memref<2x128x128xf32, #tpu.memory_space<vmem>>
    %dma_wait3A_223 = arith.constant 0 : i32
    %dma_wait3A_224 = arith.constant 0 : i32
    %dma_wait3A_225 = tpu.memref_slice %dma_wait3A_222[%dma_wait3A_217, %dma_wait3A_223, %dma_wait3A_224] : memref<2x128x128xf32, #tpu.memory_space<vmem>> -> memref<1x128x128xf32, #tpu.memory_space<vmem>>
    %dma_wait3A_226 = tpu.memref_squeeze %dma_wait3A_225 : memref<1x128x128xf32, #tpu.memory_space<vmem>> -> memref<128x128xf32, #tpu.memory_space<vmem>>
    %dma_wait3A_227 = arith.constant 0 : i32
    %dma_wait3A_228 = tpu.memref_slice %arg4[%add3A_215, %dma_wait3A_227] : memref<819200x128xf32, #tpu.memory_space<hbm>> -> memref<128x128xf32, #tpu.memory_space<hbm>>
    %dma_wait3A_229 = arith.constant 0 : i32
    %dma_wait3A_230 = tpu.memref_slice %arg4[%add3A_215, %dma_wait3A_229] : memref<819200x128xf32, #tpu.memory_space<hbm>> -> memref<128x128xf32, #tpu.memory_space<hbm>>
    %dma_wait3A_231 = arith.constant 0 : i32
    %dma_wait3A_232 = arith.constant 0 : i32
    %dma_wait3A_233 = arith.constant 0 : i32
    %dma_wait3A_234 = tpu.memref_slice %arg7[%dma_wait3A_216, %dma_wait3A_231, %dma_wait3A_232, %dma_wait3A_233] : memref<2x2x128x128xf32, #tpu.memory_space<vmem>> -> memref<1x2x128x128xf32, #tpu.memory_space<vmem>>
    %dma_wait3A_235 = tpu.memref_squeeze %dma_wait3A_234 : memref<1x2x128x128xf32, #tpu.memory_space<vmem>> -> memref<2x128x128xf32, #tpu.memory_space<vmem>>
    %dma_wait3A_236 = arith.constant 0 : i32
    %dma_wait3A_237 = arith.constant 0 : i32
    %dma_wait3A_238 = tpu.memref_slice %dma_wait3A_235[%dma_wait3A_217, %dma_wait3A_236, %dma_wait3A_237] : memref<2x128x128xf32, #tpu.memory_space<vmem>> -> memref<1x128x128xf32, #tpu.memory_space<vmem>>
    %dma_wait3A_239 = tpu.memref_squeeze %dma_wait3A_238 : memref<1x128x128xf32, #tpu.memory_space<vmem>> -> memref<128x128xf32, #tpu.memory_space<vmem>>
    tpu.wait_dma2 semaphore(%arg9 : memref<!tpu.dma_semaphore, #tpu.memory_space<semaphore_mem>>) src(%dma_wait3A_239 : memref<128x128xf32, #tpu.memory_space<vmem>>) dst(%dma_wait3A_230 : memref<128x128xf32, #tpu.memory_space<hbm>>)
    %add3A_240 = arith.constant 25344 : i32
    %add3A_241 = arith.addi %mul3A_2, %add3A_240 : i32
    %dma_start3A_242 = arith.constant 1 : i32
    %dma_start3A_243 = arith.constant 0 : i32
    %dma_start3A_244 = arith.constant 0 : i32
    %dma_start3A_245 = arith.constant 0 : i32
    %dma_start3A_246 = arith.constant 0 : i32
    %dma_start3A_247 = tpu.memref_slice %arg7[%dma_start3A_242, %dma_start3A_244, %dma_start3A_245, %dma_start3A_246] : memref<2x2x128x128xf32, #tpu.memory_space<vmem>> -> memref<1x2x128x128xf32, #tpu.memory_space<vmem>>
    %dma_start3A_248 = tpu.memref_squeeze %dma_start3A_247 : memref<1x2x128x128xf32, #tpu.memory_space<vmem>> -> memref<2x128x128xf32, #tpu.memory_space<vmem>>
    %dma_start3A_249 = arith.constant 0 : i32
    %dma_start3A_250 = arith.constant 0 : i32
    %dma_start3A_251 = tpu.memref_slice %dma_start3A_248[%dma_start3A_243, %dma_start3A_249, %dma_start3A_250] : memref<2x128x128xf32, #tpu.memory_space<vmem>> -> memref<1x128x128xf32, #tpu.memory_space<vmem>>
    %dma_start3A_252 = tpu.memref_squeeze %dma_start3A_251 : memref<1x128x128xf32, #tpu.memory_space<vmem>> -> memref<128x128xf32, #tpu.memory_space<vmem>>
    %dma_start3A_253 = arith.constant 0 : i32
    %dma_start3A_254 = tpu.memref_slice %arg4[%add3A_241, %dma_start3A_253] : memref<819200x128xf32, #tpu.memory_space<hbm>> -> memref<128x128xf32, #tpu.memory_space<hbm>>
    %dma_start3A_255 = arith.constant 0 : i32
    %dma_start3A_256 = tpu.memref_slice %arg4[%add3A_241, %dma_start3A_255] : memref<819200x128xf32, #tpu.memory_space<hbm>> -> memref<128x128xf32, #tpu.memory_space<hbm>>
    %dma_start3A_257 = arith.constant 0 : i32
    %dma_start3A_258 = arith.constant 0 : i32
    %dma_start3A_259 = arith.constant 0 : i32
    %dma_start3A_260 = tpu.memref_slice %arg7[%dma_start3A_242, %dma_start3A_257, %dma_start3A_258, %dma_start3A_259] : memref<2x2x128x128xf32, #tpu.memory_space<vmem>> -> memref<1x2x128x128xf32, #tpu.memory_space<vmem>>
    %dma_start3A_261 = tpu.memref_squeeze %dma_start3A_260 : memref<1x2x128x128xf32, #tpu.memory_space<vmem>> -> memref<2x128x128xf32, #tpu.memory_space<vmem>>
    %dma_start3A_262 = arith.constant 0 : i32
    %dma_start3A_263 = arith.constant 0 : i32
    %dma_start3A_264 = tpu.memref_slice %dma_start3A_261[%dma_start3A_243, %dma_start3A_262, %dma_start3A_263] : memref<2x128x128xf32, #tpu.memory_space<vmem>> -> memref<1x128x128xf32, #tpu.memory_space<vmem>>
    %dma_start3A_265 = tpu.memref_squeeze %dma_start3A_264 : memref<1x128x128xf32, #tpu.memory_space<vmem>> -> memref<128x128xf32, #tpu.memory_space<vmem>>
    tpu.enqueue_dma source(%dma_start3A_265 : memref<128x128xf32, #tpu.memory_space<vmem>>) target(%dma_start3A_256 : memref<128x128xf32, #tpu.memory_space<hbm>>) target_semaphore(%arg9 : memref<!tpu.dma_semaphore, #tpu.memory_space<semaphore_mem>>)
    %add3A_266 = arith.constant 25472 : i32
    %add3A_267 = arith.addi %mul3A_2, %add3A_266 : i32
    %dma_start3A_268 = arith.constant 1 : i32
    %dma_start3A_269 = arith.constant 1 : i32
    %dma_start3A_270 = arith.constant 0 : i32
    %dma_start3A_271 = arith.constant 0 : i32
    %dma_start3A_272 = arith.constant 0 : i32
    %dma_start3A_273 = tpu.memref_slice %arg7[%dma_start3A_268, %dma_start3A_270, %dma_start3A_271, %dma_start3A_272] : memref<2x2x128x128xf32, #tpu.memory_space<vmem>> -> memref<1x2x128x128xf32, #tpu.memory_space<vmem>>
    %dma_start3A_274 = tpu.memref_squeeze %dma_start3A_273 : memref<1x2x128x128xf32, #tpu.memory_space<vmem>> -> memref<2x128x128xf32, #tpu.memory_space<vmem>>
    %dma_start3A_275 = arith.constant 0 : i32
    %dma_start3A_276 = arith.constant 0 : i32
    %dma_start3A_277 = tpu.memref_slice %dma_start3A_274[%dma_start3A_269, %dma_start3A_275, %dma_start3A_276] : memref<2x128x128xf32, #tpu.memory_space<vmem>> -> memref<1x128x128xf32, #tpu.memory_space<vmem>>
    %dma_start3A_278 = tpu.memref_squeeze %dma_start3A_277 : memref<1x128x128xf32, #tpu.memory_space<vmem>> -> memref<128x128xf32, #tpu.memory_space<vmem>>
    %dma_start3A_279 = arith.constant 0 : i32
    %dma_start3A_280 = tpu.memref_slice %arg4[%add3A_267, %dma_start3A_279] : memref<819200x128xf32, #tpu.memory_space<hbm>> -> memref<128x128xf32, #tpu.memory_space<hbm>>
    %dma_start3A_281 = arith.constant 0 : i32
    %dma_start3A_282 = tpu.memref_slice %arg4[%add3A_267, %dma_start3A_281] : memref<819200x128xf32, #tpu.memory_space<hbm>> -> memref<128x128xf32, #tpu.memory_space<hbm>>
    %dma_start3A_283 = arith.constant 0 : i32
    %dma_start3A_284 = arith.constant 0 : i32
    %dma_start3A_285 = arith.constant 0 : i32
    %dma_start3A_286 = tpu.memref_slice %arg7[%dma_start3A_268, %dma_start3A_283, %dma_start3A_284, %dma_start3A_285] : memref<2x2x128x128xf32, #tpu.memory_space<vmem>> -> memref<1x2x128x128xf32, #tpu.memory_space<vmem>>
    %dma_start3A_287 = tpu.memref_squeeze %dma_start3A_286 : memref<1x2x128x128xf32, #tpu.memory_space<vmem>> -> memref<2x128x128xf32, #tpu.memory_space<vmem>>
    %dma_start3A_288 = arith.constant 0 : i32
    %dma_start3A_289 = arith.constant 0 : i32
    %dma_start3A_290 = tpu.memref_slice %dma_start3A_287[%dma_start3A_269, %dma_start3A_288, %dma_start3A_289] : memref<2x128x128xf32, #tpu.memory_space<vmem>> -> memref<1x128x128xf32, #tpu.memory_space<vmem>>
    %dma_start3A_291 = tpu.memref_squeeze %dma_start3A_290 : memref<1x128x128xf32, #tpu.memory_space<vmem>> -> memref<128x128xf32, #tpu.memory_space<vmem>>
    tpu.enqueue_dma source(%dma_start3A_291 : memref<128x128xf32, #tpu.memory_space<vmem>>) target(%dma_start3A_282 : memref<128x128xf32, #tpu.memory_space<hbm>>) target_semaphore(%arg9 : memref<!tpu.dma_semaphore, #tpu.memory_space<semaphore_mem>>)
    %add3A_292 = arith.constant 25344 : i32
    %add3A_293 = arith.addi %mul3A_2, %add3A_292 : i32
    %dma_wait3A_294 = arith.constant 1 : i32
    %dma_wait3A_295 = arith.constant 0 : i32
    %dma_wait3A_296 = arith.constant 0 : i32
    %dma_wait3A_297 = arith.constant 0 : i32
    %dma_wait3A_298 = arith.constant 0 : i32
    %dma_wait3A_299 = tpu.memref_slice %arg7[%dma_wait3A_294, %dma_wait3A_296, %dma_wait3A_297, %dma_wait3A_298] : memref<2x2x128x128xf32, #tpu.memory_space<vmem>> -> memref<1x2x128x128xf32, #tpu.memory_space<vmem>>
    %dma_wait3A_300 = tpu.memref_squeeze %dma_wait3A_299 : memref<1x2x128x128xf32, #tpu.memory_space<vmem>> -> memref<2x128x128xf32, #tpu.memory_space<vmem>>
    %dma_wait3A_301 = arith.constant 0 : i32
    %dma_wait3A_302 = arith.constant 0 : i32
    %dma_wait3A_303 = tpu.memref_slice %dma_wait3A_300[%dma_wait3A_295, %dma_wait3A_301, %dma_wait3A_302] : memref<2x128x128xf32, #tpu.memory_space<vmem>> -> memref<1x128x128xf32, #tpu.memory_space<vmem>>
    %dma_wait3A_304 = tpu.memref_squeeze %dma_wait3A_303 : memref<1x128x128xf32, #tpu.memory_space<vmem>> -> memref<128x128xf32, #tpu.memory_space<vmem>>
    %dma_wait3A_305 = arith.constant 0 : i32
    %dma_wait3A_306 = tpu.memref_slice %arg4[%add3A_293, %dma_wait3A_305] : memref<819200x128xf32, #tpu.memory_space<hbm>> -> memref<128x128xf32, #tpu.memory_space<hbm>>
    %dma_wait3A_307 = arith.constant 0 : i32
    %dma_wait3A_308 = tpu.memref_slice %arg4[%add3A_293, %dma_wait3A_307] : memref<819200x128xf32, #tpu.memory_space<hbm>> -> memref<128x128xf32, #tpu.memory_space<hbm>>
    %dma_wait3A_309 = arith.constant 0 : i32
    %dma_wait3A_310 = arith.constant 0 : i32
    %dma_wait3A_311 = arith.constant 0 : i32
    %dma_wait3A_312 = tpu.memref_slice %arg7[%dma_wait3A_294, %dma_wait3A_309, %dma_wait3A_310, %dma_wait3A_311] : memref<2x2x128x128xf32, #tpu.memory_space<vmem>> -> memref<1x2x128x128xf32, #tpu.memory_space<vmem>>
    %dma_wait3A_313 = tpu.memref_squeeze %dma_wait3A_312 : memref<1x2x128x128xf32, #tpu.memory_space<vmem>> -> memref<2x128x128xf32, #tpu.memory_space<vmem>>
    %dma_wait3A_314 = arith.constant 0 : i32
    %dma_wait3A_315 = arith.constant 0 : i32
    %dma_wait3A_316 = tpu.memref_slice %dma_wait3A_313[%dma_wait3A_295, %dma_wait3A_314, %dma_wait3A_315] : memref<2x128x128xf32, #tpu.memory_space<vmem>> -> memref<1x128x128xf32, #tpu.memory_space<vmem>>
    %dma_wait3A_317 = tpu.memref_squeeze %dma_wait3A_316 : memref<1x128x128xf32, #tpu.memory_space<vmem>> -> memref<128x128xf32, #tpu.memory_space<vmem>>
    tpu.wait_dma2 semaphore(%arg9 : memref<!tpu.dma_semaphore, #tpu.memory_space<semaphore_mem>>) src(%dma_wait3A_317 : memref<128x128xf32, #tpu.memory_space<vmem>>) dst(%dma_wait3A_308 : memref<128x128xf32, #tpu.memory_space<hbm>>)
    %add3A_318 = arith.constant 25472 : i32
    %add3A_319 = arith.addi %mul3A_2, %add3A_318 : i32
    %dma_wait3A_320 = arith.constant 1 : i32
    %dma_wait3A_321 = arith.constant 1 : i32
    %dma_wait3A_322 = arith.constant 0 : i32
    %dma_wait3A_323 = arith.constant 0 : i32
    %dma_wait3A_324 = arith.constant 0 : i32
    %dma_wait3A_325 = tpu.memref_slice %arg7[%dma_wait3A_320, %dma_wait3A_322, %dma_wait3A_323, %dma_wait3A_324] : memref<2x2x128x128xf32, #tpu.memory_space<vmem>> -> memref<1x2x128x128xf32, #tpu.memory_space<vmem>>
    %dma_wait3A_326 = tpu.memref_squeeze %dma_wait3A_325 : memref<1x2x128x128xf32, #tpu.memory_space<vmem>> -> memref<2x128x128xf32, #tpu.memory_space<vmem>>
    %dma_wait3A_327 = arith.constant 0 : i32
    %dma_wait3A_328 = arith.constant 0 : i32
    %dma_wait3A_329 = tpu.memref_slice %dma_wait3A_326[%dma_wait3A_321, %dma_wait3A_327, %dma_wait3A_328] : memref<2x128x128xf32, #tpu.memory_space<vmem>> -> memref<1x128x128xf32, #tpu.memory_space<vmem>>
    %dma_wait3A_330 = tpu.memref_squeeze %dma_wait3A_329 : memref<1x128x128xf32, #tpu.memory_space<vmem>> -> memref<128x128xf32, #tpu.memory_space<vmem>>
    %dma_wait3A_331 = arith.constant 0 : i32
    %dma_wait3A_332 = tpu.memref_slice %arg4[%add3A_319, %dma_wait3A_331] : memref<819200x128xf32, #tpu.memory_space<hbm>> -> memref<128x128xf32, #tpu.memory_space<hbm>>
    %dma_wait3A_333 = arith.constant 0 : i32
    %dma_wait3A_334 = tpu.memref_slice %arg4[%add3A_319, %dma_wait3A_333] : memref<819200x128xf32, #tpu.memory_space<hbm>> -> memref<128x128xf32, #tpu.memory_space<hbm>>
    %dma_wait3A_335 = arith.constant 0 : i32
    %dma_wait3A_336 = arith.constant 0 : i32
    %dma_wait3A_337 = arith.constant 0 : i32
    %dma_wait3A_338 = tpu.memref_slice %arg7[%dma_wait3A_320, %dma_wait3A_335, %dma_wait3A_336, %dma_wait3A_337] : memref<2x2x128x128xf32, #tpu.memory_space<vmem>> -> memref<1x2x128x128xf32, #tpu.memory_space<vmem>>
    %dma_wait3A_339 = tpu.memref_squeeze %dma_wait3A_338 : memref<1x2x128x128xf32, #tpu.memory_space<vmem>> -> memref<2x128x128xf32, #tpu.memory_space<vmem>>
    %dma_wait3A_340 = arith.constant 0 : i32
    %dma_wait3A_341 = arith.constant 0 : i32
    %dma_wait3A_342 = tpu.memref_slice %dma_wait3A_339[%dma_wait3A_321, %dma_wait3A_340, %dma_wait3A_341] : memref<2x128x128xf32, #tpu.memory_space<vmem>> -> memref<1x128x128xf32, #tpu.memory_space<vmem>>
    %dma_wait3A_343 = tpu.memref_squeeze %dma_wait3A_342 : memref<1x128x128xf32, #tpu.memory_space<vmem>> -> memref<128x128xf32, #tpu.memory_space<vmem>>
    tpu.wait_dma2 semaphore(%arg9 : memref<!tpu.dma_semaphore, #tpu.memory_space<semaphore_mem>>) src(%dma_wait3A_343 : memref<128x128xf32, #tpu.memory_space<vmem>>) dst(%dma_wait3A_334 : memref<128x128xf32, #tpu.memory_space<hbm>>)
    return
  }
}

</mosaic_0001>

<sc_bundles>
// kernel: _gather_rows.3.cloned.1.call-start
scs
__scs_entry_jumppad:
0x0: {  	(pc) =	sbr.rel $0x88, $3  }
0x1: {  	(tag) =	ssettag $0x0;
	lr =	simm.s32 $0x1  }
0x2: {  	[smem:$0x3F9F] =	sst lr;
	_ =	strace $0xD0000000  }
0x3: {  	_ = 	snop  }
0x4: {  	_ = 	snop  }
0x5: {  	_ = 	snop  }
0x6: {  	_ = 	snop  }
0x7: {  	_ = 	snop  }
__scs_overlays_trampoline_lowered:
0x8: {  	[smem:$0x3FAE] =	sst s0  }
0x9: {  	[smem:$0x3FAF] =	sst s1  }
0xa: {  	[smem:$0x3FB0] =	sst s2  }
0xb: {  	[smem:$0x3FB1] =	sst s3  }
0xc: {  	[smem:$0x3FB2] =	sst s4  }
0xd: {  	[smem:$0x3FB3] =	sst s5  }
0xe: {  	[smem:$0x3FB4] =	sst s6  }
0xf: {  	[smem:$0x3FB5] =	sst s7  }
0x10: {  	[smem:$0x3FB6] =	sst s8  }
0x11: {  	[smem:$0x3FB7] =	sst s9;
	s0 =	simm.s32 @!p0 $0x0  }
0x12: {  	s1 =	sld [smem:$0x3F9D];
	s0 =	simm.s32 @p0 $0x1  }
0x13: {  	[smem:$0x3FB8] =	sst s0;
	s0 =	simm.s32 @!p1 $0x0  }
0x14: {  	s2 =	sld [smem:$0x3F9C];
	s0 =	simm.s32 @p1 $0x1  }
0x15: {  	[smem:$0x3FB9] =	sst s0;
	s0 =	simm.s32 @!p2 $0x0  }
0x16: {  	s3 =	sld [smem:$0x3FDB];
	s0 =	simm.s32 @p2 $0x1  }
0x17: {  	s4 =	simm.s32 $0x1BF5;
	[smem:$0x3FBB] =	sst s0  }
0x18: {  	s0 =	sld [smem:$0x3F9E];
	_ =	swait.ge [sflag:s4], $0x0  }
0x19: {  	s7 =	sld [smem:$0x3F9F]  }
0x1a: {  	s8 =	sadd.s32 $0xFFFFE003, lr  }
0x1b: {  	s9 =	sadd.s32 $0xFFFFFEF7, lr;
	s5 =	simm.s32 $0xFFFFFFFF;
	p2 =	slt.u32 s8, $0xFFFFF086  }
0x1c: {  	p1 =	slt.u32 s9, $0xF7A;
	s5 =	simm.s32 @!p2 $0x0  }
0x1d: {  	s5 =	simm.s32 @p1 $0x1;
	p0 =	seq.s32 s7, s2  }
0x1e: {  	s7 =	smul.u32 @!p0 $0xF7A, s2;
	p2 =	seq.s32 @!p0 s5, $0x0  }
0x1f: {  	s9 =	smul.u32 $0xF7A, s1;
	s8 =	simm.s32 @!p0 $0x1BF5;
	p2 =	por !p2, p0  }
0x20: {  	[sflag:s8] =	ssyncset.s32 @!p0 $0xFFFFF086;
	s6 =	sadd.s32 @!p0 s3, s7;
	s7 =	simm.s32 @!p0 $0x108  }
0x21: {  	s3 =	sadd.s32 s3, s9;
	s6 =	sadd.s32 @!p0 $0x88, s6;
	s7 =	simm.s32 @p2 $0x1082  }
0x22: {  	[simem:s7], [sflag:s8] =	dma.local @!p0 [hbm:s6], $0xF7A  }
0x23: {  	s9 =	sor.u32 $0xD0000000, s2;
	s6 =	simm.s32 $0x108;
	_ =	swait.ge @!p0 [sflag:s8], $0x0  }
0x24: {  	s3 =	sadd.s32 $0x88, s3;
	s6 =	simm.s32 @!p1 $0x1082;
	[sflag:s4] =	ssyncset.s32 $0xFFFFF086  }
0x25: {  	[simem:s6], [sflag:s4] =	dma.local [hbm:s3], $0xF7A  }
0x26: {  	[smem:$0x3F9F] =	sst s1;
	(tag) =	ssettag s2;
	_ =	strace s9  }
0x27: {  	s1 =	sld [smem:$0x3FAF]  }
0x28: {  	s2 =	sld [smem:$0x3FB0]  }
0x29: {  	s4 =	sld [smem:$0x3FB2]  }
0x2a: {  	p0 =	seq.s32 s5, $0x0;
	s5 =	sld [smem:$0x3FB3]  }
0x2b: {  	s6 =	sld [smem:$0x3FB4]  }
0x2c: {  	s7 =	sld [smem:$0x3FB5]  }
0x2d: {  	s3 =	simm.s32 $0x108;
	s8 =	sld [smem:$0x3FB6]  }
0x2e: {  	s3 =	simm.s32 @!p0 $0x1082;
	s9 =	sld [smem:$0x3FB7]  }
0x2f: {  	lr =	sadd.s32 s0, s3;
	s0 =	sld [smem:$0x3FAE]  }
0x30: {  	s3 =	sld [smem:$0x3FB1]  }
0x31: {  	[smem:$0x3FBA] =	sst s10  }
0x32: {  	s10 =	sld [smem:$0x3FB8];
	_ =	sdelay $0x3  }
0x33: {  	p0 =	seq.s32 s10, $0x1;
	s10 =	sld [smem:$0x3FBA];
	_ =	sdelay $0x3  }
0x34: {  	[smem:$0x3FBA] =	sst s10  }
0x35: {  	s10 =	sld [smem:$0x3FB9];
	_ =	sdelay $0x3  }
0x36: {  	p1 =	seq.s32 s10, $0x1;
	s10 =	sld [smem:$0x3FBA];
	_ =	sdelay $0x3  }
0x37: {  	[smem:$0x3FBA] =	sst s10  }
0x38: {  	s10 =	sld [smem:$0x3FBB]  }
0x39: {  	_ = 	snop;
	(pc) =	sbr.ind lr, $3  }
0x3a: {  	_ = 	snop  }
0x3b: {  	_ = 	snop  }
0x3c: {  	p2 =	seq.s32 s10, $0x1;
	s10 =	sld [smem:$0x3FBA]  }
0x3d: {  	_ =	shalt  }
0x3e: {  	_ =	shalt  }
0x3f: {  	_ =	shalt  }
0x40: {  	_ =	shalt  }
0x41: {  	_ =	shalt  }
0x42: {  	_ =	shalt  }
0x43: {  	_ =	shalt  }
0x44: {  	_ =	shalt  }
0x45: {  	_ =	shalt  }
0x46: {  	_ =	shalt  }
0x47: {  	_ =	shalt  }
0x48: {  	_ =	shalt  }
0x49: {  	_ =	shalt  }
0x4a: {  	_ =	shalt  }
0x4b: {  	_ =	shalt  }
0x4c: {  	_ =	shalt  }
0x4d: {  	_ =	shalt  }
0x4e: {  	_ =	shalt  }
0x4f: {  	_ =	shalt  }
0x50: {  	_ =	shalt  }
0x51: {  	_ =	shalt  }
0x52: {  	_ =	shalt  }
0x53: {  	_ =	shalt  }
0x54: {  	_ =	shalt  }
0x55: {  	_ =	shalt  }
0x56: {  	_ =	shalt  }
0x57: {  	_ =	shalt  }
0x58: {  	_ =	shalt  }
0x59: {  	_ =	shalt  }
0x5a: {  	_ =	shalt  }
0x5b: {  	_ =	shalt  }
0x5c: {  	_ =	shalt  }
0x5d: {  	_ =	shalt  }
0x5e: {  	_ =	shalt  }
0x5f: {  	_ =	shalt  }
0x60: {  	_ =	shalt  }
0x61: {  	_ =	shalt  }
0x62: {  	_ =	shalt  }
0x63: {  	_ =	shalt  }
0x64: {  	_ =	shalt  }
0x65: {  	_ =	shalt  }
0x66: {  	_ =	shalt  }
0x67: {  	_ =	shalt  }
0x68: {  	_ =	shalt  }
0x69: {  	_ =	shalt  }
0x6a: {  	_ =	shalt  }
0x6b: {  	_ =	shalt  }
0x6c: {  	_ =	shalt  }
0x6d: {  	_ =	shalt  }
0x6e: {  	_ =	shalt  }
0x6f: {  	_ =	shalt  }
0x70: {  	_ =	shalt  }
0x71: {  	_ =	shalt  }
0x72: {  	_ =	shalt  }
0x73: {  	_ =	shalt  }
0x74: {  	_ =	shalt  }
0x75: {  	_ =	shalt  }
0x76: {  	_ =	shalt  }
0x77: {  	_ =	shalt  }
0x78: {  	_ =	shalt  }
0x79: {  	_ =	shalt  }
0x7a: {  	_ =	shalt  }
0x7b: {  	_ =	shalt  }
0x7c: {  	_ =	shalt  }
0x7d: {  	_ =	shalt  }
0x7e: {  	_ =	shalt  }
0x7f: {  	_ =	shalt  }
0x80: {  	_ =	shalt  }
0x81: {  	_ =	shalt  }
0x82: {  	_ =	shalt  }
0x83: {  	_ =	shalt  }
0x84: {  	_ =	shalt  }
0x85: {  	_ =	shalt  }
0x86: {  	_ =	shalt  }
0x87: {  	_ =	shalt  }
.Lfunc_end0:
.L_simem_size_0:
called_computation_lowered:
.L_overlay_start_0:
0x88: {  	s2 =	sld [smem:$0x3FD9]  }
0x89: {  	s3 =	sld [smem:$0x3FFE];
	_ =	sdelay $0x1  }
0x8a: {  	s1 =	srdreg.scid  }
0x8b: {  	s0 =	sand.u32 $0x1, s1  }
0x8c: {  	s18 =	sshll.u32 s0, $0xA;
	s2 =	sadd.s32 s3, s2  }
0x8d: {  	s2 =	sadd.s32 s2, s18  }
0x8e: {  	[smem:$0x3FC6] =	sst s2  }
0x8f: {  	_ = 	snop  }
0x90: {  	s2 =	sld [smem:$0x3FC9]  }
0x91: {  	s19 =	sld [smem:$0x3FC8]  }
0x92: {  	s4 =	sld [smem:$0x3FD0];
	(tm) =	ssettm $0x1  }
0x93: {  	s5 =	sld [smem:$0x3FFB];
	_ =	sdelay $0x3  }
0x94: {  	_ =	strace s5  }
0x95: {  	s5 =	sld [smem:$0x3FFC];
	_ =	sdelay $0x3  }
0x96: {  	_ =	strace s5  }
0x97: {  	s5 =	sld [smem:$0x3FFD];
	_ =	sdelay $0x3  }
0x98: {  	_ =	strace s5  }
0x99: {  	_ =	strace $0x8FFFFFFF  }
0x9a: {  	s20 =	sld [smem:$0x3FDB];
	_ =	sdelay $0x1  }
0x9b: {  	s6 =	simm.s32 $_scs_section_size  }
0x9c: {  	s7 =	simm.s32 $_size__tile_overlayer_lowered;
	s8 =	simm.s32 $_tile_overlayer_lowered  }
0x9d: {  	s23 =	simm.s32 $0x1BFF;
	s22 =	sshll.u32 s8, $0x1;
	s5 =	sadd.s32 s6, s20  }
0x9e: {  	s9 =	simm.s32 $0x0;
	s21 =	sshll.u32 s7, $0x1;
	s7 =	sadd.s32 s22, s5  }
0x9f: {  	[timem:s9], [sflag:s23] =	dma.local [hbm:s7], s21  }
0xa0: {  	_ =	swait.ge [sflag:s23], s21  }
0xa1: {  	s6 =	ssub.s32 $0x0, s21;
	[sflag:s23] =	ssyncset.done $0x0  }
0xa2: {  	[sflag:s23] =	ssyncadd.s32 s6;
	_ =	sdelay $0x1  }
0xa3: {  	s24 =	simm.s32 $0x1B8B  }
0xa4: {  	_ =	swait.ge [sflag:s24], $0x1  }
0xa5: {  	[sflag:s24] =	ssyncset.done $0x0  }
0xa6: {  	s25 =	simm.s32 $0x1B8E;
	[sflag:s24] =	ssyncadd.s32 $0xFFFFFFFF  }
0xa7: {  	s26 =	simm.s32 $execute0_lowered;
	[smem:$0x3FD2] =	sst s25  }
0xa8: {  	s6 =	sshll.u32 s26, $0x1;
	_ =	strace $0x80000046;
	[dreg:$0x1] =	wrdreg $0xFFFFFFFF  }
0xa9: {  	s28 =	simm.s32 $_size_execute0_lowered;
	s5 =	sadd.s32 s5, s6;
	[dreg:$0x0] =	wrdreg $0x0  }
0xaa: {  	s6 =	sshll.u32 s28, $0x1;
	[dreg:$0x2] =	wrdreg s5  }
0xab: {  	[dreg:$0x3] =	wrdreg s6  }
0xac: {  	[dreg:$0x4] =	wrdreg $0xC0  }
0xad: {  	_ =	task [dreg:s9], $0x5FFFF  }
0xae: {  	[dreg:$0x1] =	wrdreg $0xFFFFFFFF  }
0xaf: {  	[dreg:$0x0] =	wrdreg $0x60  }
0xb0: {  	[dreg:$0x2] =	wrdreg s2  }
0xb1: {  	[dreg:$0x3] =	wrdreg s19  }
0xb2: {  	[dreg:$0x4] =	wrdreg s4  }
0xb3: {  	[dreg:$0x5] =	wrdreg $0x64000  }
0xb4: {  	[dreg:$0x6] =	wrdreg $0x9  }
0xb5: {  	_ =	task.clear_ibuf [dreg:s9], $0x7FFFF;
	_ =	strace $0x90000046  }
0xb6: {  	s29 =	simm.s32 $0x9;
	_ =	strace $0x80000048  }
0xb7: {  	_ =	swait.ge [sflag:s29], $0x1  }
0xb8: {  	[sflag:s29] =	ssyncadd.s32 $0xFFFFFFFF  }
0xb9: {  	_ =	strace $0x90000048  }
0xba: {  	_ =	sfence  }
0xbb: {  	s30 =	sld [smem:$0x0];
	_ =	sdelay $0x2  }
0xbc: {  	s31 =	sshll.u32 s1, $0xD;
	s1 =	sshrl.u32 s1, $0x2  }
0xbd: {  	s3 =	sand.u32 $0x4000, s31;
	s1 =	sadd.s32 s1, s30  }
0xbe: {  	s0 =	sor.u32 s3, s0;
	s1 =	sshll.u32 s1, $0x11  }
0xbf: {  	s0 =	sor.u32 s1, s0  }
0xc0: {  	s0 =	sadd.s32 $0x8F2B, s0  }
0xc1: {  	[sflag:s0] =	ssyncadd.remote.s32 $0x1  }
0xc2: {  	_ =	sfence.sel $0xFFFF  }
0xc3: {  	[dreg:$0x0] =	wrdreg $0xFFFFFFFF;
	(pc) =	sbr.abs _section_cstart, $3  }
0xc4: {  	[dreg:$0x1] =	wrdreg $0xFFFFFFFF  }
0xc5: {  	_ =	task.clear_ibuf [dreg:s9], $0x2FFFF;
	_ =	strace $0x9FFFFFFF  }
0xc6: {  	(tm) =	ssettm $0x7FFFFFFF  }
0xc7: {  	_ =	shalt  }
tec
execute0_lowered:
.L_overlay_start_1:
0x0: {  	(tag) =	ssettag $0x1  }
0x1: {  	s0 =	rddreg [dreg:$0x0]  }
0x2: {  	s5 =	rddreg [dreg:$0x1]  }
0x3: {  	s1 =	srdreg.scid;
	s11 =	rddreg [dreg:$0x2]  }
0x4: {  	s12 =	stileid.u32;
	s2 =	rddreg [dreg:$0x3]  }
0x5: {  	s3 =	simm.s32 $0x0;
	s16 =	simm.s32 $0xAC00;
	s17 =	simm.s32 $0x1  }
0x6: {  	s18 =	simm.s32 $0x100;
	s19 =	simm.s32 $0xEC00;
	s20 =	simm.s32 $0x180  }
0x7: {  	s21 =	simm.s32 $0x12C00;
	s22 =	simm.s32 $0x2;
	s14 =	smul.u32 $0x640000, s12  }
0x8: {  	s23 =	simm.s32 $0x0;
	s9 =	sand.u32 $0x1, s1;
	s15 =	smul.u32 $0xC8000, s12  }
0x9: {  	s26 =	sshll.u32 s12, $0x1;
	s1 =	rddreg [dreg:$0x4];
	s29 =	smul.u32 $0x320000, s9  }
0xa: {  	[smem:$0x7FF] =	sst s3;
	s4 =	sor.u32 s9, s26;
	s30 =	smul.u32 $0x64000, s9  }
0xb: {  	p0 =	sne.s32 s12, $0x0;
	s7 =	ssub.s32 $0x2, s9;
	s6 =	smul.u32 $0x6400, s4  }
0xc: {  	_ =	strace $0x80000047;
	s12 =	sshrl.u32 @!p0 s2, $0x3;
	s8 =	smul.u32 $0x64000, s4  }
0xd: {  	s10 =	sshrl.u32 s7, $0x1;
	s13 =	smul.u32 $0x320000, s4;
	s31 =	sadd.s32 s15, s11  }
0xe: {  	s15 =	simm.s32 $0x6C00;
	s10 =	ssub.s32 s7, s10;
	s14 =	sadd.s32 s29, s14  }
0xf: {  	s6 =	sshrl.u32 s6, $0x3;
	s4 =	sadd.s32 s11, s8;
	s28 =	sshrl.u32 s13, $0x3  }
0x10: {  	s14 =	sor.u32 $0x8000, s14;
	s9 =	smax.u32 s10, $0x1;
	s10 =	sadd.s32 s30, s31  }
0x11: {  	s5 =	sadd.s32 s5, s6;
	s6 =	sadd.s32 $0x800, s4;
	s13 =	sadd.s32 s11, s28  }
0x12: {  	s14 =	sshrl.u32 s14, $0x3;
	s7 =	sadd.s32 $0x63000, s13;
	s8 =	sadd.s32 $0x63800, s13  }
0x13: {  	s11 =	sadd.s32 s14, s11;
	s13 =	simm.s32 $0x3;
	s14 =	simm.s32 $0x80  }
.LBB2_1:
0x14: {  	s24 =	simm.s32 @!p0 $0x1C03  }
0x15: {  	[spmem:s12], [sflag:s24] =	dma.local @!p0 [hbm:s0], $0xC90  }
0x16: {  	s24 =	simm.s32 @!p0 $0x3  }
0x17: {  	_ =	swait.ge @!p0 [sflag:s24], $0xC90  }
0x18: {  	[sflag:s24] =	ssyncset.done @!p0 $0x0  }
0x19: {  	[sflag:s24] =	ssyncadd.s32 @!p0 $0xFFFFF370  }
0x1a: {  	[bflag:$0x0] =	sbarrier.arrive $0xFFFF  }
0x1b: {  	[tilespmem:s3], [sflag:$0x3] =	stream.linear.gather [hbm4b:s5+s3], $0x6400, $0x38;
	[tilespmem:$0x16C00] =	vst v63  }
0x1c: {  	_ =	swait.ge [sflag:s13], $0x6400  }
0x1d: {  	[sflag:s13] =	ssyncset.done $0x0  }
0x1e: {  	[sflag:s13] =	ssyncadd.s32 $0xFFFF9C00  }
0x1f: {  	[tilespmem:s15], [sflag:$0x1] =	stream.indirect.gather [spmem:s2], $0x80, s3, s14, $0xb8;
	[tilespmem:$0x16C00] =	vst v63  }
0x20: {  	_ = 	snop  }
0x21: {  	[tilespmem:s16], [sflag:$0x1] =	stream.indirect.gather [spmem:s2], $0x80, s14, s14, $0xb8;
	[tilespmem:$0x16C00] =	vst v63  }
0x22: {  	_ =	swait.ge [sflag:s17], $0x4000  }
0x23: {  	[sflag:s17] =	ssyncset.done $0x0  }
0x24: {  	[sflag:s17] =	ssyncadd.s32 $0xFFFFC000  }
0x25: {  	_ =	swait.ge [sflag:s17], $0x4000  }
0x26: {  	[sflag:s17] =	ssyncset.done $0x0  }
0x27: {  	[sflag:s17] =	ssyncadd.s32 $0xFFFFC000  }
0x28: {  	[hbm4b:s4+s3] =	stream.linear.scatter [tilespmem:s15], [sflag:$0x2], $0x4000, $0x38;
	[tilespmem:$0x16C00] =	vst v63  }
0x29: {  	_ = 	snop  }
0x2a: {  	[hbm4b:s6+s3] =	stream.linear.scatter [tilespmem:s16], [sflag:$0x2], $0x4000, $0x38;
	[tilespmem:$0x16C00] =	vst v63  }
0x2b: {  	_ = 	snop  }
0x2c: {  	[tilespmem:s19], [sflag:$0x1] =	stream.indirect.gather [spmem:s2], $0x80, s18, s14, $0xb8;
	[tilespmem:$0x16C00] =	vst v63  }
0x2d: {  	_ = 	snop  }
0x2e: {  	[tilespmem:s21], [sflag:$0x1] =	stream.indirect.gather [spmem:s2], $0x80, s20, s14, $0xb8;
	[tilespmem:$0x16C00] =	vst v63  }
0x2f: {  	_ =	swait.ge [sflag:s17], $0x4000  }
0x30: {  	[sflag:s17] =	ssyncset.done $0x0  }
0x31: {  	[sflag:s17] =	ssyncadd.s32 $0xFFFFC000  }
0x32: {  	_ =	swait.ge [sflag:s17], $0x4000  }
0x33: {  	[sflag:s17] =	ssyncset.done $0x0  }
0x34: {  	[sflag:s17] =	ssyncadd.s32 $0xFFFFC000  }
0x35: {  	_ =	swait.ge [sflag:s22], $0x4000  }
0x36: {  	[sflag:s22] =	ssyncset.done $0x0  }
0x37: {  	[sflag:s22] =	ssyncadd.s32 $0xFFFFC000  }
0x38: {  	_ =	swait.ge [sflag:s22], $0x4000  }
0x39: {  	[sflag:s22] =	ssyncset.done $0x0  }
0x3a: {  	s30 =	sadd.s32 $0x0, s11;
	s25 =	sadd.s32 $0x0, s10;
	[sflag:s22] =	ssyncadd.s32 $0xFFFFC000  }
0x3b: {  	[hbm4b:s30+s3] =	stream.linear.scatter [tilespmem:s19], [sflag:$0x2], $0x4000, $0x38;
	[tilespmem:$0x16C00] =	vst v63  }
0x3c: {  	s31 =	sadd.s32 $0x1800, s25  }
0x3d: {  	[hbm4b:s31+s3] =	stream.linear.scatter [tilespmem:s21], [sflag:$0x2], $0x4000, $0x38;
	[tilespmem:$0x16C00] =	vst v63  }
0x3e: {  	s26 =	simm.s32 $0x200  }
0x3f: {  	[tilespmem:s15], [sflag:$0x1] =	stream.indirect.gather [spmem:s2], $0x80, s26, s14, $0xb8;
	[tilespmem:$0x16C00] =	vst v63  }
0x40: {  	s28 =	simm.s32 $0x280  }
0x41: {  	[tilespmem:s16], [sflag:$0x1] =	stream.indirect.gather [spmem:s2], $0x80, s28, s14, $0xb8;
	[tilespmem:$0x16C00] =	vst v63  }
0x42: {  	_ =	swait.ge [sflag:s17], $0x4000  }
0x43: {  	[sflag:s17] =	ssyncset.done $0x0  }
0x44: {  	[sflag:s17] =	ssyncadd.s32 $0xFFFFC000  }
0x45: {  	_ =	swait.ge [sflag:s17], $0x4000  }
0x46: {  	[sflag:s17] =	ssyncset.done $0x0  }
0x47: {  	[sflag:s17] =	ssyncadd.s32 $0xFFFFC000  }
0x48: {  	_ =	swait.ge [sflag:s22], $0x4000  }
0x49: {  	[sflag:s22] =	ssyncset.done $0x0  }
0x4a: {  	[sflag:s22] =	ssyncadd.s32 $0xFFFFC000  }
0x4b: {  	_ =	swait.ge [sflag:s22], $0x4000  }
0x4c: {  	[sflag:s22] =	ssyncset.done $0x0  }
0x4d: {  	s29 =	sadd.s32 $0x2000, s25;
	[sflag:s22] =	ssyncadd.s32 $0xFFFFC000  }
0x4e: {  	[hbm4b:s29+s3] =	stream.linear.scatter [tilespmem:s15], [sflag:$0x2], $0x4000, $0x38;
	[tilespmem:$0x16C00] =	vst v63  }
0x4f: {  	s24 =	simm.s32 $0x2000;
	s30 =	sadd.s32 $0x2800, s25  }
0x50: {  	[hbm4b:s30+s3] =	stream.linear.scatter [tilespmem:s16], [sflag:$0x2], $0x4000, $0x38;
	[tilespmem:$0x16C00] =	vst v63  }
0x51: {  	s25 =	simm.s32 $0x400;
	s31 =	simm.s32 $0x300;
	s26 =	simm.s32 $0x380  }
0x52: {  	[tilespmem:s19], [sflag:$0x1] =	stream.indirect.gather [spmem:s2], $0x80, s31, s14, $0xb8;
	[tilespmem:$0x16C00] =	vst v63  }
.LBB2_2:
0x53: {  	[tilespmem:s21], [sflag:$0x1] =	stream.indirect.gather [spmem:s2], $0x80, s26, s14, $0xb8;
	[tilespmem:$0x16C00] =	vst v63  }
0x54: {  	s26 =	smov.u32 s24  }
0x55: {  	p1 =	sne.s32 s24, $0x60000;
	s24 =	sadd.s32 $0x2000, s24;
	_ =	swait.ge [sflag:s17], $0x4000  }
0x56: {  	[sflag:s17] =	ssyncset.done $0x0  }
0x57: {  	[sflag:s17] =	ssyncadd.s32 $0xFFFFC000  }
0x58: {  	_ =	swait.ge [sflag:s17], $0x4000  }
0x59: {  	[sflag:s17] =	ssyncset.done $0x0  }
0x5a: {  	[sflag:s17] =	ssyncadd.s32 $0xFFFFC000  }
0x5b: {  	_ =	swait.ge [sflag:s22], $0x4000  }
0x5c: {  	[sflag:s22] =	ssyncset.done $0x0  }
0x5d: {  	[sflag:s22] =	ssyncadd.s32 $0xFFFFC000  }
0x5e: {  	_ =	swait.ge [sflag:s22], $0x4000  }
0x5f: {  	[sflag:s22] =	ssyncset.done $0x0  }
0x60: {  	s28 =	sadd.s32 s26, s11;
	s26 =	sadd.s32 s26, s10;
	[sflag:s22] =	ssyncadd.s32 $0xFFFFC000  }
0x61: {  	[hbm4b:s28+s3] =	stream.linear.scatter [tilespmem:s19], [sflag:$0x2], $0x4000, $0x38;
	[tilespmem:$0x16C00] =	vst v63  }
0x62: {  	s28 =	sadd.s32 $0x1800, s26  }
0x63: {  	[hbm4b:s28+s3] =	stream.linear.scatter [tilespmem:s21], [sflag:$0x2], $0x4000, $0x38;
	[tilespmem:$0x16C00] =	vst v63  }
0x64: {  	_ = 	snop  }
0x65: {  	[tilespmem:s15], [sflag:$0x1] =	stream.indirect.gather [spmem:s2], $0x80, s25, s14, $0xb8;
	[tilespmem:$0x16C00] =	vst v63  }
0x66: {  	s28 =	sadd.s32 $0x80, s25  }
0x67: {  	[tilespmem:s16], [sflag:$0x1] =	stream.indirect.gather [spmem:s2], $0x80, s28, s14, $0xb8;
	[tilespmem:$0x16C00] =	vst v63  }
0x68: {  	_ =	swait.ge [sflag:s17], $0x4000  }
0x69: {  	[sflag:s17] =	ssyncset.done $0x0  }
0x6a: {  	[sflag:s17] =	ssyncadd.s32 $0xFFFFC000  }
0x6b: {  	_ =	swait.ge [sflag:s17], $0x4000  }
0x6c: {  	[sflag:s17] =	ssyncset.done $0x0  }
0x6d: {  	[sflag:s17] =	ssyncadd.s32 $0xFFFFC000  }
0x6e: {  	_ =	swait.ge [sflag:s22], $0x4000  }
0x6f: {  	[sflag:s22] =	ssyncset.done $0x0  }
0x70: {  	[sflag:s22] =	ssyncadd.s32 $0xFFFFC000  }
0x71: {  	_ =	swait.ge [sflag:s22], $0x4000  }
0x72: {  	[sflag:s22] =	ssyncset.done $0x0  }
0x73: {  	s28 =	sadd.s32 $0x2000, s26;
	[sflag:s22] =	ssyncadd.s32 $0xFFFFC000  }
0x74: {  	[hbm4b:s28+s3] =	stream.linear.scatter [tilespmem:s15], [sflag:$0x2], $0x4000, $0x38;
	[tilespmem:$0x16C00] =	vst v63  }
.Ltmp0:
0x75: {  	s26 =	sadd.s32 $0x2800, s26;
	(pc) =	sbr.rel @p1 .LBB2_2-.Ltmp0, $4  }
0x76: {  	[hbm4b:s26+s3] =	stream.linear.scatter [tilespmem:s16], [sflag:$0x2], $0x4000, $0x38;
	[tilespmem:$0x16C00] =	vst v63  }
0x77: {  	s26 =	sadd.s32 $0x100, s25  }
0x78: {  	[tilespmem:s19], [sflag:$0x1] =	stream.indirect.gather [spmem:s2], $0x80, s26, s14, $0xb8;
	[tilespmem:$0x16C00] =	vst v63  }
0x79: {  	s26 =	sadd.s32 $0x180, s25;
	s25 =	sadd.s32 $0x200, s25  }
0x7a: {  	[tilespmem:s21], [sflag:$0x1] =	stream.indirect.gather [spmem:s2], $0x80, s26, s14, $0xb8;
	[tilespmem:$0x16C00] =	vst v63  }
0x7b: {  	_ =	swait.ge [sflag:s17], $0x4000  }
0x7c: {  	[sflag:s17] =	ssyncset.done $0x0  }
0x7d: {  	[sflag:s17] =	ssyncadd.s32 $0xFFFFC000  }
0x7e: {  	_ =	swait.ge [sflag:s17], $0x4000  }
0x7f: {  	[sflag:s17] =	ssyncset.done $0x0  }
0x80: {  	[sflag:s17] =	ssyncadd.s32 $0xFFFFC000  }
0x81: {  	_ =	swait.ge [sflag:s22], $0x4000  }
0x82: {  	[sflag:s22] =	ssyncset.done $0x0  }
0x83: {  	[sflag:s22] =	ssyncadd.s32 $0xFFFFC000  }
0x84: {  	_ =	swait.ge [sflag:s22], $0x4000  }
0x85: {  	[sflag:s22] =	ssyncset.done $0x0  }
0x86: {  	[sflag:s22] =	ssyncadd.s32 $0xFFFFC000  }
0x87: {  	[hbm4b:s7+s3] =	stream.linear.scatter [tilespmem:s19], [sflag:$0x2], $0x4000, $0x38;
	[tilespmem:$0x16C00] =	vst v63  }
0x88: {  	s23 =	sadd.s32 $0x1, s23  }
0x89: {  	[hbm4b:s8+s3] =	stream.linear.scatter [tilespmem:s21], [sflag:$0x2], $0x4000, $0x38;
	[tilespmem:$0x16C00] =	vst v63  }
0x8a: {  	p1 =	sne.s32 s23, s9;
	_ =	swait.ge [sflag:s22], $0x4000  }
.Ltmp1:
0x8b: {  	[sflag:s22] =	ssyncset.done $0x0;
	(pc) =	sbr.rel @p1 .LBB2_1-.Ltmp1, $4  }
0x8c: {  	[sflag:s22] =	ssyncadd.s32 $0xFFFFC000  }
0x8d: {  	_ =	swait.ge [sflag:s22], $0x4000  }
0x8e: {  	[sflag:s22] =	ssyncset.done $0x0  }
0x8f: {  	[sflag:s22] =	ssyncadd.s32 $0xFFFFC000  }
0x90: {  	_ =	sfence.sel $0x180000  }
0x91: {  	[bflag:$0x0] =	sbarrier.arrive $0xFFFF  }
0x92: {  	_ =	strace $0x90000047  }
0x93: {  	s0 =	sadd.s32 @!p0 $0x100000, s1;
	[bflag:$0x2] =	sbarrier.arrive $0xFFFF  }
0x94: {  	[sflag:s0] =	ssyncadd.tile.s32 @!p0 $0x1;
	_ =	shalt  }
.Lfunc_end2:
_tile_overlayer_lowered:
.L_overlay_start_2:
0x95: {  	(tag) =	ssettag $0x2  }
0x96: {  	s0 =	rddreg [dreg:$0x0];
	s2 =	stileid.u32  }
0x97: {  	s1 =	rddreg [dreg:$0x1];
	p0 =	sne.s32 s2, $0x0  }
0x98: {  	s3 =	rddreg [dreg:$0x2];
	[bflag:$0x3] =	sbarrier.arrive $0xFFFF;
	s2 =	simm.s32 @!p0 $0x1C03  }
0x99: {  	[timem:s3], [sflag:s2] =	dma.local @!p0 [hbm:s0], s1  }
0x9a: {  	s0 =	simm.s32 @!p0 $0x3  }
0x9b: {  	_ =	swait.ge @!p0 [sflag:s0], s1  }
0x9c: {  	s1 =	ssub.s32 @!p0 $0x0, s1;
	[sflag:s0] =	ssyncset.done @!p0 $0x0  }
0x9d: {  	[sflag:s0] =	ssyncadd.s32 @!p0 s1  }
0x9e: {  	[bflag:$0x3] =	sbarrier.arrive $0xFFFF  }
0x9f: {  	_ =	shalt  }

</sc_bundles>
